<compile_context>
chip_gen: v7x
topology: tpu7x:2x2x1
jax: 0.10.2.dev20260603
libtpu: 0.0.44.dev20260713+nightly
codegen_flags: <defaults>
</compile_context>

<pallas_src>
import functools

import jax
import jax.numpy as jnp
from jax import lax
from jax.experimental import pallas as pl
from jax.experimental.pallas import tpu as pltpu
from jax.experimental.pallas import tpu_sc as plsc

_NC = 2
_NS = 16
_LANES = 16
_NW = _NC * _NS
_CHUNK = 80
_FLUSH_ROWS = 80


def _spmm_partials(x, rows, cols, vals):
  M, F = x.shape
  E = rows.shape[0]
  e_per_w = E // _NW
  n_chunks = e_per_w // _CHUNK
  tile_rows = -(-(M // _NS) // _FLUSH_ROWS) * _FLUSH_ROWS

  mesh = plsc.VectorSubcoreMesh(
      core_axis_name="c", subcore_axis_name="s",
      num_cores=_NC, num_subcores=_NS)

  @functools.partial(
      pl.kernel,
      out_type=jax.ShapeDtypeStruct((_NC, M, F), jnp.float32),
      mesh=mesh,
      compiler_params=pltpu.CompilerParams(needs_layout_passes=False),
      scratch_types=[
          pltpu.VMEM((_CHUNK,), jnp.int32),
          pltpu.VMEM((_CHUNK,), jnp.int32),
          pltpu.VMEM((_CHUNK,), jnp.float32),
          pltpu.VMEM((_CHUNK, F), jnp.float32),
          pltpu.VMEM_SHARED((M, F), jnp.float32),
      ],
  )
  def run(x_hbm, rows_hbm, cols_hbm, vals_hbm, out_hbm,
          rowbuf, colbuf, valbuf, xbuf, accum):
    cid = lax.axis_index("c")
    sid = lax.axis_index("s")
    wid = cid * _NS + sid

    zero16 = jnp.zeros((_LANES,), jnp.float32)

    @pl.loop(0, _CHUNK)
    def _(r):
      for j in range(F // _LANES):
        xbuf[r, pl.ds(j * _LANES, _LANES)] = zero16

    start = sid * tile_rows
    count = jnp.minimum(tile_rows, M - start)

    @pl.loop(0, count // _FLUSH_ROWS)
    def _(i):
      pltpu.sync_copy(xbuf.at[pl.ds(0, _FLUSH_ROWS)],
                      accum.at[pl.ds(start + i * _FLUSH_ROWS, _FLUSH_ROWS)])

    plsc.subcore_barrier()

    base = wid * e_per_w

    @pl.loop(0, n_chunks)
    def _(i):
      off = base + i * _CHUNK
      pltpu.sync_copy(rows_hbm.at[pl.ds(off, _CHUNK)], rowbuf)
      pltpu.sync_copy(cols_hbm.at[pl.ds(off, _CHUNK)], colbuf)
      pltpu.sync_copy(vals_hbm.at[pl.ds(off, _CHUNK)], valbuf)
      pltpu.sync_copy(x_hbm.at[colbuf], xbuf)

      @pl.loop(0, _CHUNK)
      def _(e):
        idx = jnp.full((_LANES,), e, jnp.int32)
        v = plsc.load_gather(valbuf, [idx])
        for j in range(F // _LANES):
          sl = pl.ds(j * _LANES, _LANES)
          xbuf[e, sl] = xbuf[e, sl] * v

      pltpu.sync_copy(xbuf, accum.at[rowbuf], add=True)

    plsc.subcore_barrier()

    @pl.loop(0, count // _FLUSH_ROWS)
    def _(i):
      r = start + i * _FLUSH_ROWS
      pltpu.sync_copy(accum.at[pl.ds(r, _FLUSH_ROWS)], xbuf)
      pltpu.sync_copy(xbuf, out_hbm.at[cid, pl.ds(r, _FLUSH_ROWS)])

  return run(x, rows, cols, vals)


def _combine(p, x_prev, a, b):
  M, F = x_prev.shape
  blk = 1000

  def body(p0_ref, p1_ref, xp_ref, o_ref):
    o_ref[...] = a * (p0_ref[...] + p1_ref[...]) + b * xp_ref[...]

  spec = pl.BlockSpec((blk, F), lambda i: (i, 0))
  return pl.pallas_call(
      body,
      grid=(M // blk,),
      in_specs=[spec, spec, spec],
      out_specs=spec,
      out_shape=jax.ShapeDtypeStruct((M, F), jnp.float32),
  )(p[0], p[1], x_prev)


def _cheb_matmul(xs, w):
  M, F = xs[0].shape
  K, _, FOUT = w.shape
  blk = 1000

  def body(*refs):
    x_refs, w_ref, o_ref = refs[:K], refs[K], refs[K + 1]
    acc = jnp.zeros((blk, FOUT), jnp.float32)
    for k in range(K):
      acc += jnp.dot(x_refs[k][...], w_ref[k],
                     preferred_element_type=jnp.float32)
    o_ref[...] = acc

  xspec = pl.BlockSpec((blk, F), lambda i: (i, 0))
  wspec = pl.BlockSpec((K, F, FOUT), lambda i: (0, 0, 0))
  return pl.pallas_call(
      body,
      grid=(M // blk,),
      in_specs=[xspec] * K + [wspec],
      out_specs=pl.BlockSpec((blk, FOUT), lambda i: (i, 0)),
      out_shape=jax.ShapeDtypeStruct((M, FOUT), jnp.float32),
  )(*xs, w)


def kernel(input_tensor, L_rows, L_cols, L_vals, kernel):
  B, M, F = input_tensor.shape
  KF, FOUT = kernel.shape
  K = KF // F

  x0 = input_tensor.reshape(M, F)
  w = kernel.reshape(F, K, FOUT).transpose(1, 0, 2)

  xs = [x0]
  if K > 1:
    p = _spmm_partials(x0, L_rows, L_cols, L_vals)
    xs.append(_combine(p, x0, 1.0, 0.0))
  for _ in range(2, K):
    p = _spmm_partials(xs[-1], L_rows, L_cols, L_vals)
    xs.append(_combine(p, xs[-2], 2.0, -1.0))

  out = _cheb_matmul(xs, w)
  return out.reshape(B, M, FOUT)

# --- scband reference (transcript-rebuilt; emitter-appended) ---
"""Pipeline reference for scband-chebyshev-85478439125126 (READ-ONLY COPY).

The authoritative reference and input builder live on the scoring server;
editing this copy changes nothing except your own understanding.
"""

import jax, jax.numpy as jnp
import numpy as np

M = 10000
E = 320000
F = 128
K = 4
FOUT = 128
B = 1


def setup_inputs(seed: int = 0) -> dict:
    key = jax.random.key(seed)
    k1, k2, k3, k4, k5 = jax.random.split(key, 5)
    input_tensor = jax.random.normal(k1, (B, M, F), dtype=jnp.float32)
    # Sparse rescaled Laplacian L (M x M) in COO form with E nonzeros.
    # In the original module this is computed from the graph Laplacian via
    # eigsh rescaling; here we materialize it directly as the constant sparse operator.
    L_rows = jax.random.randint(k2, (E,), 0, M, dtype=jnp.int32)
    L_cols = jax.random.randint(k3, (E,), 0, M, dtype=jnp.int32)
    L_vals = (jax.random.uniform(k4, (E,), dtype=jnp.float32) * 2.0 - 1.0) / np.sqrt(32.0)
    # Kernel init per build(): TruncatedNormal(stddev=1/sqrt(Fin*(K+0.5)/2)), shape [K*Fin, Fout]
    stddev = 1.0 / np.sqrt(F * (K + 0.5) / 2.0)
    kernel = jax.random.normal(k5, (K * F, FOUT), dtype=jnp.float32) * stddev
    return {"input_tensor": input_tensor, "L_rows": L_rows, "L_cols": L_cols, "L_vals": L_vals, "kernel": kernel}


def reference(input_tensor, L_rows, L_cols, L_vals, kernel):
    Bn, Mn, Fin = input_tensor.shape

    def spmm(x):
        # sparse (M x M) @ dense (M x C): gather rows by col index, scale, scatter-add to row index
        return jax.ops.segment_sum(L_vals[:, None] * x[L_cols], L_rows, num_segments=Mn)

    # x0: (M, Fin*B)
    x0 = jnp.transpose(input_tensor, (1, 2, 0)).reshape(Mn, -1)
    stack = [x0]
    if K > 1:
        x1 = spmm(x0)
        stack.append(x1)
    for _k in range(2, K):
        x2 = 2.0 * spmm(x1) - x0
        stack.append(x2)
        x0, x1 = x1, x2
    x = jnp.stack(stack, axis=0)              # (K, M, Fin*B)
    x = x.reshape(K, Mn, Fin, -1)             # (K, M, Fin, B)
    x = jnp.transpose(x, (3, 1, 2, 0))        # (B, M, Fin, K)
    x = x.reshape(-1, Fin * K)                # (B*M, Fin*K)
    x = x @ kernel                            # (B*M, Fout)
    return x.reshape(-1, Mn, FOUT)

if __name__ == "__main__":
    import jax
    _d = setup_inputs()
    print(jax.jit(kernel)(*tuple(_d.values())))

</pallas_src>

<mosaic_0001>
#map = affine_map<(d0, d1) -> (0, 0)>
#map1 = affine_map<(d0, d1) -> (0)>
#map2 = affine_map<(d0, d1) -> (0, 0, 0)>
module attributes {stable_mosaic.version = 14 : i64} {
  func.func @run(%arg0: i32, %arg1: i32, %arg2: memref<10000x128xf32, #tpu.memory_space<hbm>>, %arg3: memref<320000xi32, #tpu.memory_space<hbm>>, %arg4: memref<320000xi32, #tpu.memory_space<hbm>>, %arg5: memref<320000xf32, #tpu.memory_space<hbm>>, %arg6: memref<2x10000x128xf32, #tpu.memory_space<hbm>>, %arg7: memref<80xi32, #tpu.memory_space<vmem>>, %arg8: memref<80xi32, #tpu.memory_space<vmem>>, %arg9: memref<80xf32, #tpu.memory_space<vmem>>, %arg10: memref<80x128xf32, #tpu.memory_space<vmem>>, %arg11: memref<10000x128xf32, #tpu.memory_space<vmem_shared>>) attributes {dimension_semantics = [#tpu.dimension_semantics<core_parallel>, #tpu.dimension_semantics<subcore_parallel>], iteration_bounds = array<i64: 2, 16>, scalar_prefetch = 0 : i64, scratch_operands = 5 : i64, tpu.core_type = #tpu.core_type<sc_vector_subcore>, window_params = [{transform_indices = #map}, {transform_indices = #map1}, {transform_indices = #map1}, {transform_indices = #map1}, {transform_indices = #map2}]} {
    %mul3A = arith.constant 16 : i32
    %mul3A_0 = arith.muli %arg0, %mul3A : i32
    %add3A = arith.addi %mul3A_0, %arg1 : i32
    %broadcast_in_dim3A = arith.constant 0.000000e+00 : f32
    %broadcast_in_dim3A_1 = vector.broadcast %broadcast_in_dim3A : f32 to vector<16xf32>
    %scan3A = arith.constant 0 : i32
    %scan3A_2 = arith.constant 80 : i32
    %scan3A_3 = arith.addi %scan3A, %scan3A_2 : i32
    %scan3A_4 = arith.constant 1 : i32
    scf.for %scan3A_96 = %scan3A to %scan3A_3 step %scan3A_4  : i32 {
      %mul3A_97 = arith.constant 1 : i32
      %mul3A_98 = arith.muli %scan3A_96, %mul3A_97 : i32
      %add3A_99 = arith.constant 0 : i32
      %add3A_100 = arith.addi %add3A_99, %mul3A_98 : i32
      %swap3A = arith.index_cast %add3A_100 : i32 to index
      %swap3A_101 = arith.constant 0 : index
      %swap3A_102 = tpu.vector_load %arg10[%swap3A, %swap3A_101] {strides = array<i32>} : memref<80x128xf32, #tpu.memory_space<vmem>>, vector<16xf32>,
      tpu.vector_store %arg10[%swap3A, %swap3A_101], %broadcast_in_dim3A_1 {strides = array<i32>} : memref<80x128xf32, #tpu.memory_space<vmem>>, vector<16xf32>,
      %swap3A_103 = arith.index_cast %add3A_100 : i32 to index
      %swap3A_104 = arith.constant 16 : index
      %swap3A_105 = tpu.vector_load %arg10[%swap3A_103, %swap3A_104] {strides = array<i32>} : memref<80x128xf32, #tpu.memory_space<vmem>>, vector<16xf32>,
      tpu.vector_store %arg10[%swap3A_103, %swap3A_104], %broadcast_in_dim3A_1 {strides = array<i32>} : memref<80x128xf32, #tpu.memory_space<vmem>>, vector<16xf32>,
      %swap3A_106 = arith.index_cast %add3A_100 : i32 to index
      %swap3A_107 = arith.constant 32 : index
      %swap3A_108 = tpu.vector_load %arg10[%swap3A_106, %swap3A_107] {strides = array<i32>} : memref<80x128xf32, #tpu.memory_space<vmem>>, vector<16xf32>,
      tpu.vector_store %arg10[%swap3A_106, %swap3A_107], %broadcast_in_dim3A_1 {strides = array<i32>} : memref<80x128xf32, #tpu.memory_space<vmem>>, vector<16xf32>,
      %swap3A_109 = arith.index_cast %add3A_100 : i32 to index
      %swap3A_110 = arith.constant 48 : index
      %swap3A_111 = tpu.vector_load %arg10[%swap3A_109, %swap3A_110] {strides = array<i32>} : memref<80x128xf32, #tpu.memory_space<vmem>>, vector<16xf32>,
      tpu.vector_store %arg10[%swap3A_109, %swap3A_110], %broadcast_in_dim3A_1 {strides = array<i32>} : memref<80x128xf32, #tpu.memory_space<vmem>>, vector<16xf32>,
      %swap3A_112 = arith.index_cast %add3A_100 : i32 to index
      %swap3A_113 = arith.constant 64 : index
      %swap3A_114 = tpu.vector_load %arg10[%swap3A_112, %swap3A_113] {strides = array<i32>} : memref<80x128xf32, #tpu.memory_space<vmem>>, vector<16xf32>,
      tpu.vector_store %arg10[%swap3A_112, %swap3A_113], %broadcast_in_dim3A_1 {strides = array<i32>} : memref<80x128xf32, #tpu.memory_space<vmem>>, vector<16xf32>,
      %swap3A_115 = arith.index_cast %add3A_100 : i32 to index
      %swap3A_116 = arith.constant 80 : index
      %swap3A_117 = tpu.vector_load %arg10[%swap3A_115, %swap3A_116] {strides = array<i32>} : memref<80x128xf32, #tpu.memory_space<vmem>>, vector<16xf32>,
      tpu.vector_store %arg10[%swap3A_115, %swap3A_116], %broadcast_in_dim3A_1 {strides = array<i32>} : memref<80x128xf32, #tpu.memory_space<vmem>>, vector<16xf32>,
      %swap3A_118 = arith.index_cast %add3A_100 : i32 to index
      %swap3A_119 = arith.constant 96 : index
      %swap3A_120 = tpu.vector_load %arg10[%swap3A_118, %swap3A_119] {strides = array<i32>} : memref<80x128xf32, #tpu.memory_space<vmem>>, vector<16xf32>,
      tpu.vector_store %arg10[%swap3A_118, %swap3A_119], %broadcast_in_dim3A_1 {strides = array<i32>} : memref<80x128xf32, #tpu.memory_space<vmem>>, vector<16xf32>,
      %swap3A_121 = arith.index_cast %add3A_100 : i32 to index
      %swap3A_122 = arith.constant 112 : index
      %swap3A_123 = tpu.vector_load %arg10[%swap3A_121, %swap3A_122] {strides = array<i32>} : memref<80x128xf32, #tpu.memory_space<vmem>>, vector<16xf32>,
      tpu.vector_store %arg10[%swap3A_121, %swap3A_122], %broadcast_in_dim3A_1 {strides = array<i32>} : memref<80x128xf32, #tpu.memory_space<vmem>>, vector<16xf32>,
    }
    %scan3A_5 = arith.constant 80 : i32
    %mul3A_6 = arith.constant 640 : i32
    %mul3A_7 = arith.muli %arg1, %mul3A_6 : i32
    %sub3A = arith.constant 10000 : i32
    %sub3A_8 = arith.subi %sub3A, %mul3A_7 : i32
    %min3A = arith.constant 640 : i32
    %min3A_9 = arith.minsi %min3A, %sub3A_8 : i32
    %jit3A = arith.constant 80 : i32
    %div3A = arith.divsi %min3A_9, %jit3A : i32
    %sign3A = arith.constant 0 : i32
    %sign3A_10 = arith.cmpi sgt, %min3A_9, %sign3A : i32
    %sign3A_11 = arith.extui %sign3A_10 : i1 to i32
    %sign3A_12 = arith.constant 0 : i32
    %sign3A_13 = arith.cmpi slt, %min3A_9, %sign3A_12 : i32
    %sign3A_14 = arith.extui %sign3A_13 : i1 to i32
    %sign3A_15 = arith.subi %sign3A_11, %sign3A_14 : i32
    %sign3A_16 = arith.constant 0 : i32
    %sign3A_17 = arith.cmpi sgt, %jit3A, %sign3A_16 : i32
    %sign3A_18 = arith.extui %sign3A_17 : i1 to i32
    %sign3A_19 = arith.constant 0 : i32
    %sign3A_20 = arith.cmpi slt, %jit3A, %sign3A_19 : i32
    %sign3A_21 = arith.extui %sign3A_20 : i1 to i32
    %sign3A_22 = arith.subi %sign3A_18, %sign3A_21 : i32
    %ne3A = arith.cmpi ne, %sign3A_15, %sign3A_22 : i32
    %rem3A = arith.remsi %min3A_9, %jit3A : i32
    %ne3A_23 = arith.constant 0 : i32
    %ne3A_24 = arith.cmpi ne, %rem3A, %ne3A_23 : i32
    %and3A = arith.andi %ne3A, %ne3A_24 : i1
    %sub3A_25 = arith.constant 1 : i32
    %sub3A_26 = arith.subi %div3A, %sub3A_25 : i32
    %select_n3A = arith.select %and3A, %sub3A_26, %div3A : i32
    %sub3A_27 = arith.constant 0 : i32
    %sub3A_28 = arith.subi %select_n3A, %sub3A_27 : i32
    %sub3A_29 = arith.constant 1 : i32
    %sub3A_30 = arith.constant 1 : i32
    %sub3A_31 = arith.subi %sub3A_29, %sub3A_30 : i32
    %add3A_32 = arith.addi %sub3A_28, %sub3A_31 : i32
    %div3A_33 = arith.constant 1 : i32
    %div3A_34 = arith.divsi %add3A_32, %div3A_33 : i32
    %while3A = arith.constant 1 : i32
    %while3A_35 = arith.constant 0 : i32
    %while3A_36 = arith.constant 0 : i32
    %while3A_37 = arith.subi %div3A_34, %while3A_36 : i32
    %while3A_38 = arith.addi %while3A_36, %while3A_37 : i32
    %while3A_39 = arith.constant 1 : i32
    %while3A_40 = arith.divsi %while3A_37, %while3A_39 : i32
    %while3A_41 = arith.muli %while3A_40, %while3A_39 : i32
    %while3A_42 = arith.addi %while3A_36, %while3A_41 : i32
    %while3A_43 = arith.constant 1 : i32
    scf.for %while3A_96 = %while3A_36 to %while3A_42 step %while3A_43  : i32 {
      %mul3A_97 = arith.muli %while3A_96, %while3A : i32
      %add3A_98 = arith.addi %while3A_35, %mul3A_97 : i32
      %mul3A_99 = arith.constant 80 : i32
      %mul3A_100 = arith.muli %add3A_98, %mul3A_99 : i32
      %add3A_101 = arith.addi %mul3A_7, %mul3A_100 : i32
      "tpu.region"() ({
        %run_scoped3A = tpu.sem_alloc : memref<!tpu.dma_semaphore, #tpu.memory_space<semaphore_mem>>
        %dma_start3A = arith.constant 0 : i32
        %dma_start3A_102 = arith.constant 0 : i32
        %dma_start3A_103 = tpu.memref_slice %arg10[%dma_start3A, %dma_start3A_102] : memref<80x128xf32, #tpu.memory_space<vmem>> -> memref<80x128xf32, #tpu.memory_space<vmem>>
        %dma_start3A_104 = arith.constant 0 : i32
        %dma_start3A_105 = tpu.memref_slice %arg11[%add3A_101, %dma_start3A_104] : memref<10000x128xf32, #tpu.memory_space<vmem_shared>> -> memref<80x128xf32, #tpu.memory_space<vmem_shared>>
        %dma_start3A_106 = arith.constant 0 : i32
        %dma_start3A_107 = tpu.memref_slice %arg11[%add3A_101, %dma_start3A_106] : memref<10000x128xf32, #tpu.memory_space<vmem_shared>> -> memref<80x128xf32, #tpu.memory_space<vmem_shared>>
        %dma_start3A_108 = arith.constant 0 : i32
        %dma_start3A_109 = arith.constant 0 : i32
        %dma_start3A_110 = tpu.memref_slice %arg10[%dma_start3A_108, %dma_start3A_109] : memref<80x128xf32, #tpu.memory_space<vmem>> -> memref<80x128xf32, #tpu.memory_space<vmem>>
        tpu.enqueue_dma source(%dma_start3A_110 : memref<80x128xf32, #tpu.memory_space<vmem>>) target(%dma_start3A_107 : memref<80x128xf32, #tpu.memory_space<vmem_shared>>) target_semaphore(%run_scoped3A : memref<!tpu.dma_semaphore, #tpu.memory_space<semaphore_mem>>)
        %dma_wait3A = arith.constant 0 : i32
        %dma_wait3A_111 = arith.constant 0 : i32
        %dma_wait3A_112 = tpu.memref_slice %arg10[%dma_wait3A, %dma_wait3A_111] : memref<80x128xf32, #tpu.memory_space<vmem>> -> memref<80x128xf32, #tpu.memory_space<vmem>>
        %dma_wait3A_113 = arith.constant 0 : i32
        %dma_wait3A_114 = tpu.memref_slice %arg11[%add3A_101, %dma_wait3A_113] : memref<10000x128xf32, #tpu.memory_space<vmem_shared>> -> memref<80x128xf32, #tpu.memory_space<vmem_shared>>
        %dma_wait3A_115 = arith.constant 0 : i32
        %dma_wait3A_116 = tpu.memref_slice %arg11[%add3A_101, %dma_wait3A_115] : memref<10000x128xf32, #tpu.memory_space<vmem_shared>> -> memref<80x128xf32, #tpu.memory_space<vmem_shared>>
        %dma_wait3A_117 = arith.constant 0 : i32
        %dma_wait3A_118 = arith.constant 0 : i32
        %dma_wait3A_119 = tpu.memref_slice %arg10[%dma_wait3A_117, %dma_wait3A_118] : memref<80x128xf32, #tpu.memory_space<vmem>> -> memref<80x128xf32, #tpu.memory_space<vmem>>
        tpu.wait_dma2 semaphore(%run_scoped3A : memref<!tpu.dma_semaphore, #tpu.memory_space<semaphore_mem>>) src(%dma_wait3A_119 : memref<80x128xf32, #tpu.memory_space<vmem>>) dst(%dma_wait3A_116 : memref<80x128xf32, #tpu.memory_space<vmem_shared>>)
        tpu.yield
      }) : () -> ()
    }
    %while3A_44 = arith.constant 1 : i32
    scf.for %while3A_96 = %while3A_42 to %while3A_38 step %while3A_44  : i32 {
      %mul3A_97 = arith.muli %while3A_96, %while3A : i32
      %add3A_98 = arith.addi %while3A_35, %mul3A_97 : i32
      %mul3A_99 = arith.constant 80 : i32
      %mul3A_100 = arith.muli %add3A_98, %mul3A_99 : i32
      %add3A_101 = arith.addi %mul3A_7, %mul3A_100 : i32
      "tpu.region"() ({
        %run_scoped3A = tpu.sem_alloc : memref<!tpu.dma_semaphore, #tpu.memory_space<semaphore_mem>>
        %dma_start3A = arith.constant 0 : i32
        %dma_start3A_102 = arith.constant 0 : i32
        %dma_start3A_103 = tpu.memref_slice %arg10[%dma_start3A, %dma_start3A_102] : memref<80x128xf32, #tpu.memory_space<vmem>> -> memref<80x128xf32, #tpu.memory_space<vmem>>
        %dma_start3A_104 = arith.constant 0 : i32
        %dma_start3A_105 = tpu.memref_slice %arg11[%add3A_101, %dma_start3A_104] : memref<10000x128xf32, #tpu.memory_space<vmem_shared>> -> memref<80x128xf32, #tpu.memory_space<vmem_shared>>
        %dma_start3A_106 = arith.constant 0 : i32
        %dma_start3A_107 = tpu.memref_slice %arg11[%add3A_101, %dma_start3A_106] : memref<10000x128xf32, #tpu.memory_space<vmem_shared>> -> memref<80x128xf32, #tpu.memory_space<vmem_shared>>
        %dma_start3A_108 = arith.constant 0 : i32
        %dma_start3A_109 = arith.constant 0 : i32
        %dma_start3A_110 = tpu.memref_slice %arg10[%dma_start3A_108, %dma_start3A_109] : memref<80x128xf32, #tpu.memory_space<vmem>> -> memref<80x128xf32, #tpu.memory_space<vmem>>
        tpu.enqueue_dma source(%dma_start3A_110 : memref<80x128xf32, #tpu.memory_space<vmem>>) target(%dma_start3A_107 : memref<80x128xf32, #tpu.memory_space<vmem_shared>>) target_semaphore(%run_scoped3A : memref<!tpu.dma_semaphore, #tpu.memory_space<semaphore_mem>>)
        %dma_wait3A = arith.constant 0 : i32
        %dma_wait3A_111 = arith.constant 0 : i32
        %dma_wait3A_112 = tpu.memref_slice %arg10[%dma_wait3A, %dma_wait3A_111] : memref<80x128xf32, #tpu.memory_space<vmem>> -> memref<80x128xf32, #tpu.memory_space<vmem>>
        %dma_wait3A_113 = arith.constant 0 : i32
        %dma_wait3A_114 = tpu.memref_slice %arg11[%add3A_101, %dma_wait3A_113] : memref<10000x128xf32, #tpu.memory_space<vmem_shared>> -> memref<80x128xf32, #tpu.memory_space<vmem_shared>>
        %dma_wait3A_115 = arith.constant 0 : i32
        %dma_wait3A_116 = tpu.memref_slice %arg11[%add3A_101, %dma_wait3A_115] : memref<10000x128xf32, #tpu.memory_space<vmem_shared>> -> memref<80x128xf32, #tpu.memory_space<vmem_shared>>
        %dma_wait3A_117 = arith.constant 0 : i32
        %dma_wait3A_118 = arith.constant 0 : i32
        %dma_wait3A_119 = tpu.memref_slice %arg10[%dma_wait3A_117, %dma_wait3A_118] : memref<80x128xf32, #tpu.memory_space<vmem>> -> memref<80x128xf32, #tpu.memory_space<vmem>>
        tpu.wait_dma2 semaphore(%run_scoped3A : memref<!tpu.dma_semaphore, #tpu.memory_space<semaphore_mem>>) src(%dma_wait3A_119 : memref<80x128xf32, #tpu.memory_space<vmem>>) dst(%dma_wait3A_116 : memref<80x128xf32, #tpu.memory_space<vmem_shared>>)
        tpu.yield
      }) : () -> ()
    }
    %barrier3A = arith.constant 0 : index
    tpu.barrier barrier_id(%barrier3A)
    %mul3A_45 = arith.constant 10000 : i32
    %mul3A_46 = arith.muli %add3A, %mul3A_45 : i32
    %scan3A_47 = arith.constant 0 : i32
    %scan3A_48 = arith.constant 125 : i32
    %scan3A_49 = arith.addi %scan3A_47, %scan3A_48 : i32
    %scan3A_50 = arith.constant 1 : i32
    scf.for %scan3A_96 = %scan3A_47 to %scan3A_49 step %scan3A_50  : i32 {
      %mul3A_97 = arith.constant 1 : i32
      %mul3A_98 = arith.muli %scan3A_96, %mul3A_97 : i32
      %add3A_99 = arith.constant 0 : i32
      %add3A_100 = arith.addi %add3A_99, %mul3A_98 : i32
      %mul3A_101 = arith.constant 80 : i32
      %mul3A_102 = arith.muli %add3A_100, %mul3A_101 : i32
      %add3A_103 = arith.addi %mul3A_46, %mul3A_102 : i32
      "tpu.region"() ({
        %run_scoped3A = tpu.sem_alloc : memref<!tpu.dma_semaphore, #tpu.memory_space<semaphore_mem>>
        %dma_start3A = tpu.memref_slice %arg3[%add3A_103] : memref<320000xi32, #tpu.memory_space<hbm>> -> memref<80xi32, #tpu.memory_space<hbm>>
        %dma_start3A_109 = tpu.memref_slice %arg3[%add3A_103] : memref<320000xi32, #tpu.memory_space<hbm>> -> memref<80xi32, #tpu.memory_space<hbm>>
        tpu.enqueue_dma source(%dma_start3A_109 : memref<80xi32, #tpu.memory_space<hbm>>) target(%arg7 : memref<80xi32, #tpu.memory_space<vmem>>) target_semaphore(%run_scoped3A : memref<!tpu.dma_semaphore, #tpu.memory_space<semaphore_mem>>)
        %dma_wait3A = tpu.memref_slice %arg3[%add3A_103] : memref<320000xi32, #tpu.memory_space<hbm>> -> memref<80xi32, #tpu.memory_space<hbm>>
        %dma_wait3A_110 = tpu.memref_slice %arg3[%add3A_103] : memref<320000xi32, #tpu.memory_space<hbm>> -> memref<80xi32, #tpu.memory_space<hbm>>
        tpu.wait_dma2 semaphore(%run_scoped3A : memref<!tpu.dma_semaphore, #tpu.memory_space<semaphore_mem>>) src(%dma_wait3A_110 : memref<80xi32, #tpu.memory_space<hbm>>) dst(%arg7 : memref<80xi32, #tpu.memory_space<vmem>>)
        tpu.yield
      }) : () -> ()
      "tpu.region"() ({
        %run_scoped3A = tpu.sem_alloc : memref<!tpu.dma_semaphore, #tpu.memory_space<semaphore_mem>>
        %dma_start3A = tpu.memref_slice %arg4[%add3A_103] : memref<320000xi32, #tpu.memory_space<hbm>> -> memref<80xi32, #tpu.memory_space<hbm>>
        %dma_start3A_109 = tpu.memref_slice %arg4[%add3A_103] : memref<320000xi32, #tpu.memory_space<hbm>> -> memref<80xi32, #tpu.memory_space<hbm>>
        tpu.enqueue_dma source(%dma_start3A_109 : memref<80xi32, #tpu.memory_space<hbm>>) target(%arg8 : memref<80xi32, #tpu.memory_space<vmem>>) target_semaphore(%run_scoped3A : memref<!tpu.dma_semaphore, #tpu.memory_space<semaphore_mem>>)
        %dma_wait3A = tpu.memref_slice %arg4[%add3A_103] : memref<320000xi32, #tpu.memory_space<hbm>> -> memref<80xi32, #tpu.memory_space<hbm>>
        %dma_wait3A_110 = tpu.memref_slice %arg4[%add3A_103] : memref<320000xi32, #tpu.memory_space<hbm>> -> memref<80xi32, #tpu.memory_space<hbm>>
        tpu.wait_dma2 semaphore(%run_scoped3A : memref<!tpu.dma_semaphore, #tpu.memory_space<semaphore_mem>>) src(%dma_wait3A_110 : memref<80xi32, #tpu.memory_space<hbm>>) dst(%arg8 : memref<80xi32, #tpu.memory_space<vmem>>)
        tpu.yield
      }) : () -> ()
      "tpu.region"() ({
        %run_scoped3A = tpu.sem_alloc : memref<!tpu.dma_semaphore, #tpu.memory_space<semaphore_mem>>
        %dma_start3A = tpu.memref_slice %arg5[%add3A_103] : memref<320000xf32, #tpu.memory_space<hbm>> -> memref<80xf32, #tpu.memory_space<hbm>>
        %dma_start3A_109 = tpu.memref_slice %arg5[%add3A_103] : memref<320000xf32, #tpu.memory_space<hbm>> -> memref<80xf32, #tpu.memory_space<hbm>>
        tpu.enqueue_dma source(%dma_start3A_109 : memref<80xf32, #tpu.memory_space<hbm>>) target(%arg9 : memref<80xf32, #tpu.memory_space<vmem>>) target_semaphore(%run_scoped3A : memref<!tpu.dma_semaphore, #tpu.memory_space<semaphore_mem>>)
        %dma_wait3A = tpu.memref_slice %arg5[%add3A_103] : memref<320000xf32, #tpu.memory_space<hbm>> -> memref<80xf32, #tpu.memory_space<hbm>>
        %dma_wait3A_110 = tpu.memref_slice %arg5[%add3A_103] : memref<320000xf32, #tpu.memory_space<hbm>> -> memref<80xf32, #tpu.memory_space<hbm>>
        tpu.wait_dma2 semaphore(%run_scoped3A : memref<!tpu.dma_semaphore, #tpu.memory_space<semaphore_mem>>) src(%dma_wait3A_110 : memref<80xf32, #tpu.memory_space<hbm>>) dst(%arg9 : memref<80xf32, #tpu.memory_space<vmem>>)
        tpu.yield
      }) : () -> ()
      "tpu.region"() ({
        %run_scoped3A = tpu.sem_alloc : memref<!tpu.dma_semaphore, #tpu.memory_space<semaphore_mem>>
        %dma_start3A = arith.constant 0 : i32
        %dma_start3A_109 = arith.constant 0 : i32
        %dma_start3A_110 = tpu.memref_slice %arg2[%dma_start3A, %dma_start3A_109] : memref<10000x128xf32, #tpu.memory_space<hbm>> -> memref<10000x128xf32, #tpu.memory_space<hbm>>
        tpu.enqueue_indirect_dma source(%dma_start3A_110 : memref<10000x128xf32, #tpu.memory_space<hbm>>) target(%arg10 : memref<80x128xf32, #tpu.memory_space<vmem>>) offsets(%arg8 : memref<80xi32, #tpu.memory_space<vmem>>) semaphore(%run_scoped3A : memref<!tpu.dma_semaphore, #tpu.memory_space<semaphore_mem>>)
        %dma_wait3A = arith.constant 0 : i32
        %dma_wait3A_111 = arith.constant 0 : i32
        %dma_wait3A_112 = tpu.memref_slice %arg2[%dma_wait3A, %dma_wait3A_111] : memref<10000x128xf32, #tpu.memory_space<hbm>> -> memref<10000x128xf32, #tpu.memory_space<hbm>>
        tpu.wait_indirect_dma semaphore(%run_scoped3A : memref<!tpu.dma_semaphore, #tpu.memory_space<semaphore_mem>>) src(%dma_wait3A_112 : memref<10000x128xf32, #tpu.memory_space<hbm>>) dst(%arg10 : memref<80x128xf32, #tpu.memory_space<vmem>>)
        tpu.yield
      }) : () -> ()
      %scan3A_104 = arith.constant 0 : i32
      %scan3A_105 = arith.constant 80 : i32
      %scan3A_106 = arith.addi %scan3A_104, %scan3A_105 : i32
      %scan3A_107 = arith.constant 1 : i32
      scf.for %scan3A_109 = %scan3A_104 to %scan3A_106 step %scan3A_107  : i32 {
        %mul3A_110 = arith.constant 1 : i32
        %mul3A_111 = arith.muli %scan3A_109, %mul3A_110 : i32
        %add3A_112 = arith.constant 0 : i32
        %add3A_113 = arith.addi %add3A_112, %mul3A_111 : i32
        %broadcast_in_dim3A_114 = vector.broadcast %add3A_113 : i32 to vector<16xi32>
        %gather3A = tpu.vector_load_idx %arg9[%broadcast_in_dim3A_114] : memref<80xf32, #tpu.memory_space<vmem>>[vector<16xi32>], vector<16xf32>,
        %get3A = arith.index_cast %add3A_113 : i32 to index
        %get3A_115 = arith.constant 0 : index
        %get3A_116 = tpu.vector_load %arg10[%get3A, %get3A_115] {strides = array<i32>} : memref<80x128xf32, #tpu.memory_space<vmem>>, vector<16xf32>,
        %mul3A_117 = arith.mulf %get3A_116, %gather3A : vector<16xf32>
        %swap3A = arith.index_cast %add3A_113 : i32 to index
        %swap3A_118 = arith.constant 0 : index
        %swap3A_119 = tpu.vector_load %arg10[%swap3A, %swap3A_118] {strides = array<i32>} : memref<80x128xf32, #tpu.memory_space<vmem>>, vector<16xf32>,
        tpu.vector_store %arg10[%swap3A, %swap3A_118], %mul3A_117 {strides = array<i32>} : memref<80x128xf32, #tpu.memory_space<vmem>>, vector<16xf32>,
        %get3A_120 = arith.index_cast %add3A_113 : i32 to index
        %get3A_121 = arith.constant 16 : index
        %get3A_122 = tpu.vector_load %arg10[%get3A_120, %get3A_121] {strides = array<i32>} : memref<80x128xf32, #tpu.memory_space<vmem>>, vector<16xf32>,
        %mul3A_123 = arith.mulf %get3A_122, %gather3A : vector<16xf32>
        %swap3A_124 = arith.index_cast %add3A_113 : i32 to index
        %swap3A_125 = arith.constant 16 : index
        %swap3A_126 = tpu.vector_load %arg10[%swap3A_124, %swap3A_125] {strides = array<i32>} : memref<80x128xf32, #tpu.memory_space<vmem>>, vector<16xf32>,
        tpu.vector_store %arg10[%swap3A_124, %swap3A_125], %mul3A_123 {strides = array<i32>} : memref<80x128xf32, #tpu.memory_space<vmem>>, vector<16xf32>,
        %get3A_127 = arith.index_cast %add3A_113 : i32 to index
        %get3A_128 = arith.constant 32 : index
        %get3A_129 = tpu.vector_load %arg10[%get3A_127, %get3A_128] {strides = array<i32>} : memref<80x128xf32, #tpu.memory_space<vmem>>, vector<16xf32>,
        %mul3A_130 = arith.mulf %get3A_129, %gather3A : vector<16xf32>
        %swap3A_131 = arith.index_cast %add3A_113 : i32 to index
        %swap3A_132 = arith.constant 32 : index
        %swap3A_133 = tpu.vector_load %arg10[%swap3A_131, %swap3A_132] {strides = array<i32>} : memref<80x128xf32, #tpu.memory_space<vmem>>, vector<16xf32>,
        tpu.vector_store %arg10[%swap3A_131, %swap3A_132], %mul3A_130 {strides = array<i32>} : memref<80x128xf32, #tpu.memory_space<vmem>>, vector<16xf32>,
        %get3A_134 = arith.index_cast %add3A_113 : i32 to index
        %get3A_135 = arith.constant 48 : index
        %get3A_136 = tpu.vector_load %arg10[%get3A_134, %get3A_135] {strides = array<i32>} : memref<80x128xf32, #tpu.memory_space<vmem>>, vector<16xf32>,
        %mul3A_137 = arith.mulf %get3A_136, %gather3A : vector<16xf32>
        %swap3A_138 = arith.index_cast %add3A_113 : i32 to index
        %swap3A_139 = arith.constant 48 : index
        %swap3A_140 = tpu.vector_load %arg10[%swap3A_138, %swap3A_139] {strides = array<i32>} : memref<80x128xf32, #tpu.memory_space<vmem>>, vector<16xf32>,
        tpu.vector_store %arg10[%swap3A_138, %swap3A_139], %mul3A_137 {strides = array<i32>} : memref<80x128xf32, #tpu.memory_space<vmem>>, vector<16xf32>,
        %get3A_141 = arith.index_cast %add3A_113 : i32 to index
        %get3A_142 = arith.constant 64 : index
        %get3A_143 = tpu.vector_load %arg10[%get3A_141, %get3A_142] {strides = array<i32>} : memref<80x128xf32, #tpu.memory_space<vmem>>, vector<16xf32>,
        %mul3A_144 = arith.mulf %get3A_143, %gather3A : vector<16xf32>
        %swap3A_145 = arith.index_cast %add3A_113 : i32 to index
        %swap3A_146 = arith.constant 64 : index
        %swap3A_147 = tpu.vector_load %arg10[%swap3A_145, %swap3A_146] {strides = array<i32>} : memref<80x128xf32, #tpu.memory_space<vmem>>, vector<16xf32>,
        tpu.vector_store %arg10[%swap3A_145, %swap3A_146], %mul3A_144 {strides = array<i32>} : memref<80x128xf32, #tpu.memory_space<vmem>>, vector<16xf32>,
        %get3A_148 = arith.index_cast %add3A_113 : i32 to index
        %get3A_149 = arith.constant 80 : index
        %get3A_150 = tpu.vector_load %arg10[%get3A_148, %get3A_149] {strides = array<i32>} : memref<80x128xf32, #tpu.memory_space<vmem>>, vector<16xf32>,
        %mul3A_151 = arith.mulf %get3A_150, %gather3A : vector<16xf32>
        %swap3A_152 = arith.index_cast %add3A_113 : i32 to index
        %swap3A_153 = arith.constant 80 : index
        %swap3A_154 = tpu.vector_load %arg10[%swap3A_152, %swap3A_153] {strides = array<i32>} : memref<80x128xf32, #tpu.memory_space<vmem>>, vector<16xf32>,
        tpu.vector_store %arg10[%swap3A_152, %swap3A_153], %mul3A_151 {strides = array<i32>} : memref<80x128xf32, #tpu.memory_space<vmem>>, vector<16xf32>,
        %get3A_155 = arith.index_cast %add3A_113 : i32 to index
        %get3A_156 = arith.constant 96 : index
        %get3A_157 = tpu.vector_load %arg10[%get3A_155, %get3A_156] {strides = array<i32>} : memref<80x128xf32, #tpu.memory_space<vmem>>, vector<16xf32>,
        %mul3A_158 = arith.mulf %get3A_157, %gather3A : vector<16xf32>
        %swap3A_159 = arith.index_cast %add3A_113 : i32 to index
        %swap3A_160 = arith.constant 96 : index
        %swap3A_161 = tpu.vector_load %arg10[%swap3A_159, %swap3A_160] {strides = array<i32>} : memref<80x128xf32, #tpu.memory_space<vmem>>, vector<16xf32>,
        tpu.vector_store %arg10[%swap3A_159, %swap3A_160], %mul3A_158 {strides = array<i32>} : memref<80x128xf32, #tpu.memory_space<vmem>>, vector<16xf32>,
        %get3A_162 = arith.index_cast %add3A_113 : i32 to index
        %get3A_163 = arith.constant 112 : index
        %get3A_164 = tpu.vector_load %arg10[%get3A_162, %get3A_163] {strides = array<i32>} : memref<80x128xf32, #tpu.memory_space<vmem>>, vector<16xf32>,
        %mul3A_165 = arith.mulf %get3A_164, %gather3A : vector<16xf32>
        %swap3A_166 = arith.index_cast %add3A_113 : i32 to index
        %swap3A_167 = arith.constant 112 : index
        %swap3A_168 = tpu.vector_load %arg10[%swap3A_166, %swap3A_167] {strides = array<i32>} : memref<80x128xf32, #tpu.memory_space<vmem>>, vector<16xf32>,
        tpu.vector_store %arg10[%swap3A_166, %swap3A_167], %mul3A_165 {strides = array<i32>} : memref<80x128xf32, #tpu.memory_space<vmem>>, vector<16xf32>,
      }
      %scan3A_108 = arith.constant 80 : i32
      "tpu.region"() ({
        %run_scoped3A = tpu.sem_alloc : memref<!tpu.dma_semaphore, #tpu.memory_space<semaphore_mem>>
        %dma_start3A = arith.constant 0 : i32
        %dma_start3A_109 = arith.constant 0 : i32
        %dma_start3A_110 = tpu.memref_slice %arg11[%dma_start3A, %dma_start3A_109] : memref<10000x128xf32, #tpu.memory_space<vmem_shared>> -> memref<10000x128xf32, #tpu.memory_space<vmem_shared>>
        tpu.enqueue_indirect_dma source(%arg10 : memref<80x128xf32, #tpu.memory_space<vmem>>) target(%dma_start3A_110 : memref<10000x128xf32, #tpu.memory_space<vmem_shared>>) offsets(%arg7 : memref<80xi32, #tpu.memory_space<vmem>>) semaphore(%run_scoped3A : memref<!tpu.dma_semaphore, #tpu.memory_space<semaphore_mem>>) {add = true}
        %dma_wait3A = arith.constant 0 : i32
        %dma_wait3A_111 = arith.constant 0 : i32
        %dma_wait3A_112 = tpu.memref_slice %arg11[%dma_wait3A, %dma_wait3A_111] : memref<10000x128xf32, #tpu.memory_space<vmem_shared>> -> memref<10000x128xf32, #tpu.memory_space<vmem_shared>>
        tpu.wait_indirect_dma semaphore(%run_scoped3A : memref<!tpu.dma_semaphore, #tpu.memory_space<semaphore_mem>>) src(%arg10 : memref<80x128xf32, #tpu.memory_space<vmem>>) dst(%dma_wait3A_112 : memref<10000x128xf32, #tpu.memory_space<vmem_shared>>)
        tpu.yield
      }) : () -> ()
    }
    %scan3A_51 = arith.constant 125 : i32
    %barrier3A_52 = arith.constant 0 : index
    tpu.barrier barrier_id(%barrier3A_52)
    %jit3A_53 = arith.constant 80 : i32
    %div3A_54 = arith.divsi %min3A_9, %jit3A_53 : i32
    %sign3A_55 = arith.constant 0 : i32
    %sign3A_56 = arith.cmpi sgt, %min3A_9, %sign3A_55 : i32
    %sign3A_57 = arith.extui %sign3A_56 : i1 to i32
    %sign3A_58 = arith.constant 0 : i32
    %sign3A_59 = arith.cmpi slt, %min3A_9, %sign3A_58 : i32
    %sign3A_60 = arith.extui %sign3A_59 : i1 to i32
    %sign3A_61 = arith.subi %sign3A_57, %sign3A_60 : i32
    %sign3A_62 = arith.constant 0 : i32
    %sign3A_63 = arith.cmpi sgt, %jit3A_53, %sign3A_62 : i32
    %sign3A_64 = arith.extui %sign3A_63 : i1 to i32
    %sign3A_65 = arith.constant 0 : i32
    %sign3A_66 = arith.cmpi slt, %jit3A_53, %sign3A_65 : i32
    %sign3A_67 = arith.extui %sign3A_66 : i1 to i32
    %sign3A_68 = arith.subi %sign3A_64, %sign3A_67 : i32
    %ne3A_69 = arith.cmpi ne, %sign3A_61, %sign3A_68 : i32
    %rem3A_70 = arith.remsi %min3A_9, %jit3A_53 : i32
    %ne3A_71 = arith.constant 0 : i32
    %ne3A_72 = arith.cmpi ne, %rem3A_70, %ne3A_71 : i32
    %and3A_73 = arith.andi %ne3A_69, %ne3A_72 : i1
    %sub3A_74 = arith.constant 1 : i32
    %sub3A_75 = arith.subi %div3A_54, %sub3A_74 : i32
    %select_n3A_76 = arith.select %and3A_73, %sub3A_75, %div3A_54 : i32
    %sub3A_77 = arith.constant 0 : i32
    %sub3A_78 = arith.subi %select_n3A_76, %sub3A_77 : i32
    %sub3A_79 = arith.constant 1 : i32
    %sub3A_80 = arith.constant 1 : i32
    %sub3A_81 = arith.subi %sub3A_79, %sub3A_80 : i32
    %add3A_82 = arith.addi %sub3A_78, %sub3A_81 : i32
    %div3A_83 = arith.constant 1 : i32
    %div3A_84 = arith.divsi %add3A_82, %div3A_83 : i32
    %while3A_85 = arith.constant 1 : i32
    %while3A_86 = arith.constant 0 : i32
    %while3A_87 = arith.constant 0 : i32
    %while3A_88 = arith.subi %div3A_84, %while3A_87 : i32
    %while3A_89 = arith.addi %while3A_87, %while3A_88 : i32
    %while3A_90 = arith.constant 1 : i32
    %while3A_91 = arith.divsi %while3A_88, %while3A_90 : i32
    %while3A_92 = arith.muli %while3A_91, %while3A_90 : i32
    %while3A_93 = arith.addi %while3A_87, %while3A_92 : i32
    %while3A_94 = arith.constant 1 : i32
    scf.for %while3A_96 = %while3A_87 to %while3A_93 step %while3A_94  : i32 {
      %mul3A_97 = arith.muli %while3A_96, %while3A_85 : i32
      %add3A_98 = arith.addi %while3A_86, %mul3A_97 : i32
      %mul3A_99 = arith.constant 80 : i32
      %mul3A_100 = arith.muli %add3A_98, %mul3A_99 : i32
      %add3A_101 = arith.addi %mul3A_7, %mul3A_100 : i32
      "tpu.region"() ({
        %run_scoped3A = tpu.sem_alloc : memref<!tpu.dma_semaphore, #tpu.memory_space<semaphore_mem>>
        %dma_start3A = arith.constant 0 : i32
        %dma_start3A_102 = tpu.memref_slice %arg11[%add3A_101, %dma_start3A] : memref<10000x128xf32, #tpu.memory_space<vmem_shared>> -> memref<80x128xf32, #tpu.memory_space<vmem_shared>>
        %dma_start3A_103 = arith.constant 0 : i32
        %dma_start3A_104 = tpu.memref_slice %arg11[%add3A_101, %dma_start3A_103] : memref<10000x128xf32, #tpu.memory_space<vmem_shared>> -> memref<80x128xf32, #tpu.memory_space<vmem_shared>>
        tpu.enqueue_dma source(%dma_start3A_104 : memref<80x128xf32, #tpu.memory_space<vmem_shared>>) target(%arg10 : memref<80x128xf32, #tpu.memory_space<vmem>>) target_semaphore(%run_scoped3A : memref<!tpu.dma_semaphore, #tpu.memory_space<semaphore_mem>>)
        %dma_wait3A = arith.constant 0 : i32
        %dma_wait3A_105 = tpu.memref_slice %arg11[%add3A_101, %dma_wait3A] : memref<10000x128xf32, #tpu.memory_space<vmem_shared>> -> memref<80x128xf32, #tpu.memory_space<vmem_shared>>
        %dma_wait3A_106 = arith.constant 0 : i32
        %dma_wait3A_107 = tpu.memref_slice %arg11[%add3A_101, %dma_wait3A_106] : memref<10000x128xf32, #tpu.memory_space<vmem_shared>> -> memref<80x128xf32, #tpu.memory_space<vmem_shared>>
        tpu.wait_dma2 semaphore(%run_scoped3A : memref<!tpu.dma_semaphore, #tpu.memory_space<semaphore_mem>>) src(%dma_wait3A_107 : memref<80x128xf32, #tpu.memory_space<vmem_shared>>) dst(%arg10 : memref<80x128xf32, #tpu.memory_space<vmem>>)
        tpu.yield
      }) : () -> ()
      "tpu.region"() ({
        %run_scoped3A = tpu.sem_alloc : memref<!tpu.dma_semaphore, #tpu.memory_space<semaphore_mem>>
        %dma_start3A = arith.constant 0 : i32
        %dma_start3A_102 = tpu.memref_slice %arg6[%arg0, %add3A_101, %dma_start3A] : memref<2x10000x128xf32, #tpu.memory_space<hbm>> -> memref<1x80x128xf32, #tpu.memory_space<hbm>>
        %dma_start3A_103 = tpu.memref_squeeze %dma_start3A_102 : memref<1x80x128xf32, #tpu.memory_space<hbm>> -> memref<80x128xf32, #tpu.memory_space<hbm>>
        %dma_start3A_104 = arith.constant 0 : i32
        %dma_start3A_105 = tpu.memref_slice %arg6[%arg0, %add3A_101, %dma_start3A_104] : memref<2x10000x128xf32, #tpu.memory_space<hbm>> -> memref<1x80x128xf32, #tpu.memory_space<hbm>>
        %dma_start3A_106 = tpu.memref_squeeze %dma_start3A_105 : memref<1x80x128xf32, #tpu.memory_space<hbm>> -> memref<80x128xf32, #tpu.memory_space<hbm>>
        tpu.enqueue_dma source(%arg10 : memref<80x128xf32, #tpu.memory_space<vmem>>) target(%dma_start3A_106 : memref<80x128xf32, #tpu.memory_space<hbm>>) target_semaphore(%run_scoped3A : memref<!tpu.dma_semaphore, #tpu.memory_space<semaphore_mem>>)
        %dma_wait3A = arith.constant 0 : i32
        %dma_wait3A_107 = tpu.memref_slice %arg6[%arg0, %add3A_101, %dma_wait3A] : memref<2x10000x128xf32, #tpu.memory_space<hbm>> -> memref<1x80x128xf32, #tpu.memory_space<hbm>>
        %dma_wait3A_108 = tpu.memref_squeeze %dma_wait3A_107 : memref<1x80x128xf32, #tpu.memory_space<hbm>> -> memref<80x128xf32, #tpu.memory_space<hbm>>
        %dma_wait3A_109 = arith.constant 0 : i32
        %dma_wait3A_110 = tpu.memref_slice %arg6[%arg0, %add3A_101, %dma_wait3A_109] : memref<2x10000x128xf32, #tpu.memory_space<hbm>> -> memref<1x80x128xf32, #tpu.memory_space<hbm>>
        %dma_wait3A_111 = tpu.memref_squeeze %dma_wait3A_110 : memref<1x80x128xf32, #tpu.memory_space<hbm>> -> memref<80x128xf32, #tpu.memory_space<hbm>>
        tpu.wait_dma2 semaphore(%run_scoped3A : memref<!tpu.dma_semaphore, #tpu.memory_space<semaphore_mem>>) src(%arg10 : memref<80x128xf32, #tpu.memory_space<vmem>>) dst(%dma_wait3A_111 : memref<80x128xf32, #tpu.memory_space<hbm>>)
        tpu.yield
      }) : () -> ()
    }
    %while3A_95 = arith.constant 1 : i32
    scf.for %while3A_96 = %while3A_93 to %while3A_89 step %while3A_95  : i32 {
      %mul3A_97 = arith.muli %while3A_96, %while3A_85 : i32
      %add3A_98 = arith.addi %while3A_86, %mul3A_97 : i32
      %mul3A_99 = arith.constant 80 : i32
      %mul3A_100 = arith.muli %add3A_98, %mul3A_99 : i32
      %add3A_101 = arith.addi %mul3A_7, %mul3A_100 : i32
      "tpu.region"() ({
        %run_scoped3A = tpu.sem_alloc : memref<!tpu.dma_semaphore, #tpu.memory_space<semaphore_mem>>
        %dma_start3A = arith.constant 0 : i32
        %dma_start3A_102 = tpu.memref_slice %arg11[%add3A_101, %dma_start3A] : memref<10000x128xf32, #tpu.memory_space<vmem_shared>> -> memref<80x128xf32, #tpu.memory_space<vmem_shared>>
        %dma_start3A_103 = arith.constant 0 : i32
        %dma_start3A_104 = tpu.memref_slice %arg11[%add3A_101, %dma_start3A_103] : memref<10000x128xf32, #tpu.memory_space<vmem_shared>> -> memref<80x128xf32, #tpu.memory_space<vmem_shared>>
        tpu.enqueue_dma source(%dma_start3A_104 : memref<80x128xf32, #tpu.memory_space<vmem_shared>>) target(%arg10 : memref<80x128xf32, #tpu.memory_space<vmem>>) target_semaphore(%run_scoped3A : memref<!tpu.dma_semaphore, #tpu.memory_space<semaphore_mem>>)
        %dma_wait3A = arith.constant 0 : i32
        %dma_wait3A_105 = tpu.memref_slice %arg11[%add3A_101, %dma_wait3A] : memref<10000x128xf32, #tpu.memory_space<vmem_shared>> -> memref<80x128xf32, #tpu.memory_space<vmem_shared>>
        %dma_wait3A_106 = arith.constant 0 : i32
        %dma_wait3A_107 = tpu.memref_slice %arg11[%add3A_101, %dma_wait3A_106] : memref<10000x128xf32, #tpu.memory_space<vmem_shared>> -> memref<80x128xf32, #tpu.memory_space<vmem_shared>>
        tpu.wait_dma2 semaphore(%run_scoped3A : memref<!tpu.dma_semaphore, #tpu.memory_space<semaphore_mem>>) src(%dma_wait3A_107 : memref<80x128xf32, #tpu.memory_space<vmem_shared>>) dst(%arg10 : memref<80x128xf32, #tpu.memory_space<vmem>>)
        tpu.yield
      }) : () -> ()
      "tpu.region"() ({
        %run_scoped3A = tpu.sem_alloc : memref<!tpu.dma_semaphore, #tpu.memory_space<semaphore_mem>>
        %dma_start3A = arith.constant 0 : i32
        %dma_start3A_102 = tpu.memref_slice %arg6[%arg0, %add3A_101, %dma_start3A] : memref<2x10000x128xf32, #tpu.memory_space<hbm>> -> memref<1x80x128xf32, #tpu.memory_space<hbm>>
        %dma_start3A_103 = tpu.memref_squeeze %dma_start3A_102 : memref<1x80x128xf32, #tpu.memory_space<hbm>> -> memref<80x128xf32, #tpu.memory_space<hbm>>
        %dma_start3A_104 = arith.constant 0 : i32
        %dma_start3A_105 = tpu.memref_slice %arg6[%arg0, %add3A_101, %dma_start3A_104] : memref<2x10000x128xf32, #tpu.memory_space<hbm>> -> memref<1x80x128xf32, #tpu.memory_space<hbm>>
        %dma_start3A_106 = tpu.memref_squeeze %dma_start3A_105 : memref<1x80x128xf32, #tpu.memory_space<hbm>> -> memref<80x128xf32, #tpu.memory_space<hbm>>
        tpu.enqueue_dma source(%arg10 : memref<80x128xf32, #tpu.memory_space<vmem>>) target(%dma_start3A_106 : memref<80x128xf32, #tpu.memory_space<hbm>>) target_semaphore(%run_scoped3A : memref<!tpu.dma_semaphore, #tpu.memory_space<semaphore_mem>>)
        %dma_wait3A = arith.constant 0 : i32
        %dma_wait3A_107 = tpu.memref_slice %arg6[%arg0, %add3A_101, %dma_wait3A] : memref<2x10000x128xf32, #tpu.memory_space<hbm>> -> memref<1x80x128xf32, #tpu.memory_space<hbm>>
        %dma_wait3A_108 = tpu.memref_squeeze %dma_wait3A_107 : memref<1x80x128xf32, #tpu.memory_space<hbm>> -> memref<80x128xf32, #tpu.memory_space<hbm>>
        %dma_wait3A_109 = arith.constant 0 : i32
        %dma_wait3A_110 = tpu.memref_slice %arg6[%arg0, %add3A_101, %dma_wait3A_109] : memref<2x10000x128xf32, #tpu.memory_space<hbm>> -> memref<1x80x128xf32, #tpu.memory_space<hbm>>
        %dma_wait3A_111 = tpu.memref_squeeze %dma_wait3A_110 : memref<1x80x128xf32, #tpu.memory_space<hbm>> -> memref<80x128xf32, #tpu.memory_space<hbm>>
        tpu.wait_dma2 semaphore(%run_scoped3A : memref<!tpu.dma_semaphore, #tpu.memory_space<semaphore_mem>>) src(%arg10 : memref<80x128xf32, #tpu.memory_space<vmem>>) dst(%dma_wait3A_111 : memref<80x128xf32, #tpu.memory_space<hbm>>)
        tpu.yield
      }) : () -> ()
    }
    return
  }
}

#map = affine_map<(d0, d1) -> (0, 0)>
#map1 = affine_map<(d0, d1) -> (0)>
#map2 = affine_map<(d0, d1) -> (0, 0, 0)>
module attributes {stable_mosaic.version = 14 : i64} {
  func.func @run(%arg0: i32, %arg1: i32, %arg2: memref<10000x128xf32, #tpu.memory_space<hbm>>, %arg3: memref<320000xi32, #tpu.memory_space<hbm>>, %arg4: memref<320000xi32, #tpu.memory_space<hbm>>, %arg5: memref<320000xf32, #tpu.memory_space<hbm>>, %arg6: memref<2x10000x128xf32, #tpu.memory_space<hbm>>, %arg7: memref<80xi32, #tpu.memory_space<vmem>>, %arg8: memref<80xi32, #tpu.memory_space<vmem>>, %arg9: memref<80xf32, #tpu.memory_space<vmem>>, %arg10: memref<80x128xf32, #tpu.memory_space<vmem>>, %arg11: memref<10000x128xf32, #tpu.memory_space<vmem_shared>>) attributes {dimension_semantics = [#tpu.dimension_semantics<core_parallel>, #tpu.dimension_semantics<subcore_parallel>], iteration_bounds = array<i64: 2, 16>, scalar_prefetch = 0 : i64, scratch_operands = 5 : i64, tpu.core_type = #tpu.core_type<sc_vector_subcore>, window_params = [{transform_indices = #map}, {transform_indices = #map1}, {transform_indices = #map1}, {transform_indices = #map1}, {transform_indices = #map2}]} {
    %mul3A = arith.constant 16 : i32
    %mul3A_0 = arith.muli %arg0, %mul3A : i32
    %add3A = arith.addi %mul3A_0, %arg1 : i32
    %broadcast_in_dim3A = arith.constant 0.000000e+00 : f32
    %broadcast_in_dim3A_1 = vector.broadcast %broadcast_in_dim3A : f32 to vector<16xf32>
    %scan3A = arith.constant 0 : i32
    %scan3A_2 = arith.constant 80 : i32
    %scan3A_3 = arith.addi %scan3A, %scan3A_2 : i32
    %scan3A_4 = arith.constant 1 : i32
    scf.for %scan3A_96 = %scan3A to %scan3A_3 step %scan3A_4  : i32 {
      %mul3A_97 = arith.constant 1 : i32
      %mul3A_98 = arith.muli %scan3A_96, %mul3A_97 : i32
      %add3A_99 = arith.constant 0 : i32
      %add3A_100 = arith.addi %add3A_99, %mul3A_98 : i32
      %swap3A = arith.index_cast %add3A_100 : i32 to index
      %swap3A_101 = arith.constant 0 : index
      %swap3A_102 = tpu.vector_load %arg10[%swap3A, %swap3A_101] {strides = array<i32>} : memref<80x128xf32, #tpu.memory_space<vmem>>, vector<16xf32>,
      tpu.vector_store %arg10[%swap3A, %swap3A_101], %broadcast_in_dim3A_1 {strides = array<i32>} : memref<80x128xf32, #tpu.memory_space<vmem>>, vector<16xf32>,
      %swap3A_103 = arith.index_cast %add3A_100 : i32 to index
      %swap3A_104 = arith.constant 16 : index
      %swap3A_105 = tpu.vector_load %arg10[%swap3A_103, %swap3A_104] {strides = array<i32>} : memref<80x128xf32, #tpu.memory_space<vmem>>, vector<16xf32>,
      tpu.vector_store %arg10[%swap3A_103, %swap3A_104], %broadcast_in_dim3A_1 {strides = array<i32>} : memref<80x128xf32, #tpu.memory_space<vmem>>, vector<16xf32>,
      %swap3A_106 = arith.index_cast %add3A_100 : i32 to index
      %swap3A_107 = arith.constant 32 : index
      %swap3A_108 = tpu.vector_load %arg10[%swap3A_106, %swap3A_107] {strides = array<i32>} : memref<80x128xf32, #tpu.memory_space<vmem>>, vector<16xf32>,
      tpu.vector_store %arg10[%swap3A_106, %swap3A_107], %broadcast_in_dim3A_1 {strides = array<i32>} : memref<80x128xf32, #tpu.memory_space<vmem>>, vector<16xf32>,
      %swap3A_109 = arith.index_cast %add3A_100 : i32 to index
      %swap3A_110 = arith.constant 48 : index
      %swap3A_111 = tpu.vector_load %arg10[%swap3A_109, %swap3A_110] {strides = array<i32>} : memref<80x128xf32, #tpu.memory_space<vmem>>, vector<16xf32>,
      tpu.vector_store %arg10[%swap3A_109, %swap3A_110], %broadcast_in_dim3A_1 {strides = array<i32>} : memref<80x128xf32, #tpu.memory_space<vmem>>, vector<16xf32>,
      %swap3A_112 = arith.index_cast %add3A_100 : i32 to index
      %swap3A_113 = arith.constant 64 : index
      %swap3A_114 = tpu.vector_load %arg10[%swap3A_112, %swap3A_113] {strides = array<i32>} : memref<80x128xf32, #tpu.memory_space<vmem>>, vector<16xf32>,
      tpu.vector_store %arg10[%swap3A_112, %swap3A_113], %broadcast_in_dim3A_1 {strides = array<i32>} : memref<80x128xf32, #tpu.memory_space<vmem>>, vector<16xf32>,
      %swap3A_115 = arith.index_cast %add3A_100 : i32 to index
      %swap3A_116 = arith.constant 80 : index
      %swap3A_117 = tpu.vector_load %arg10[%swap3A_115, %swap3A_116] {strides = array<i32>} : memref<80x128xf32, #tpu.memory_space<vmem>>, vector<16xf32>,
      tpu.vector_store %arg10[%swap3A_115, %swap3A_116], %broadcast_in_dim3A_1 {strides = array<i32>} : memref<80x128xf32, #tpu.memory_space<vmem>>, vector<16xf32>,
      %swap3A_118 = arith.index_cast %add3A_100 : i32 to index
      %swap3A_119 = arith.constant 96 : index
      %swap3A_120 = tpu.vector_load %arg10[%swap3A_118, %swap3A_119] {strides = array<i32>} : memref<80x128xf32, #tpu.memory_space<vmem>>, vector<16xf32>,
      tpu.vector_store %arg10[%swap3A_118, %swap3A_119], %broadcast_in_dim3A_1 {strides = array<i32>} : memref<80x128xf32, #tpu.memory_space<vmem>>, vector<16xf32>,
      %swap3A_121 = arith.index_cast %add3A_100 : i32 to index
      %swap3A_122 = arith.constant 112 : index
      %swap3A_123 = tpu.vector_load %arg10[%swap3A_121, %swap3A_122] {strides = array<i32>} : memref<80x128xf32, #tpu.memory_space<vmem>>, vector<16xf32>,
      tpu.vector_store %arg10[%swap3A_121, %swap3A_122], %broadcast_in_dim3A_1 {strides = array<i32>} : memref<80x128xf32, #tpu.memory_space<vmem>>, vector<16xf32>,
    }
    %scan3A_5 = arith.constant 80 : i32
    %mul3A_6 = arith.constant 640 : i32
    %mul3A_7 = arith.muli %arg1, %mul3A_6 : i32
    %sub3A = arith.constant 10000 : i32
    %sub3A_8 = arith.subi %sub3A, %mul3A_7 : i32
    %min3A = arith.constant 640 : i32
    %min3A_9 = arith.minsi %min3A, %sub3A_8 : i32
    %jit3A = arith.constant 80 : i32
    %div3A = arith.divsi %min3A_9, %jit3A : i32
    %sign3A = arith.constant 0 : i32
    %sign3A_10 = arith.cmpi sgt, %min3A_9, %sign3A : i32
    %sign3A_11 = arith.extui %sign3A_10 : i1 to i32
    %sign3A_12 = arith.constant 0 : i32
    %sign3A_13 = arith.cmpi slt, %min3A_9, %sign3A_12 : i32
    %sign3A_14 = arith.extui %sign3A_13 : i1 to i32
    %sign3A_15 = arith.subi %sign3A_11, %sign3A_14 : i32
    %sign3A_16 = arith.constant 0 : i32
    %sign3A_17 = arith.cmpi sgt, %jit3A, %sign3A_16 : i32
    %sign3A_18 = arith.extui %sign3A_17 : i1 to i32
    %sign3A_19 = arith.constant 0 : i32
    %sign3A_20 = arith.cmpi slt, %jit3A, %sign3A_19 : i32
    %sign3A_21 = arith.extui %sign3A_20 : i1 to i32
    %sign3A_22 = arith.subi %sign3A_18, %sign3A_21 : i32
    %ne3A = arith.cmpi ne, %sign3A_15, %sign3A_22 : i32
    %rem3A = arith.remsi %min3A_9, %jit3A : i32
    %ne3A_23 = arith.constant 0 : i32
    %ne3A_24 = arith.cmpi ne, %rem3A, %ne3A_23 : i32
    %and3A = arith.andi %ne3A, %ne3A_24 : i1
    %sub3A_25 = arith.constant 1 : i32
    %sub3A_26 = arith.subi %div3A, %sub3A_25 : i32
    %select_n3A = arith.select %and3A, %sub3A_26, %div3A : i32
    %sub3A_27 = arith.constant 0 : i32
    %sub3A_28 = arith.subi %select_n3A, %sub3A_27 : i32
    %sub3A_29 = arith.constant 1 : i32
    %sub3A_30 = arith.constant 1 : i32
    %sub3A_31 = arith.subi %sub3A_29, %sub3A_30 : i32
    %add3A_32 = arith.addi %sub3A_28, %sub3A_31 : i32
    %div3A_33 = arith.constant 1 : i32
    %div3A_34 = arith.divsi %add3A_32, %div3A_33 : i32
    %while3A = arith.constant 1 : i32
    %while3A_35 = arith.constant 0 : i32
    %while3A_36 = arith.constant 0 : i32
    %while3A_37 = arith.subi %div3A_34, %while3A_36 : i32
    %while3A_38 = arith.addi %while3A_36, %while3A_37 : i32
    %while3A_39 = arith.constant 1 : i32
    %while3A_40 = arith.divsi %while3A_37, %while3A_39 : i32
    %while3A_41 = arith.muli %while3A_40, %while3A_39 : i32
    %while3A_42 = arith.addi %while3A_36, %while3A_41 : i32
    %while3A_43 = arith.constant 1 : i32
    scf.for %while3A_96 = %while3A_36 to %while3A_42 step %while3A_43  : i32 {
      %mul3A_97 = arith.muli %while3A_96, %while3A : i32
      %add3A_98 = arith.addi %while3A_35, %mul3A_97 : i32
      %mul3A_99 = arith.constant 80 : i32
      %mul3A_100 = arith.muli %add3A_98, %mul3A_99 : i32
      %add3A_101 = arith.addi %mul3A_7, %mul3A_100 : i32
      "tpu.region"() ({
        %run_scoped3A = tpu.sem_alloc : memref<!tpu.dma_semaphore, #tpu.memory_space<semaphore_mem>>
        %dma_start3A = arith.constant 0 : i32
        %dma_start3A_102 = arith.constant 0 : i32
        %dma_start3A_103 = tpu.memref_slice %arg10[%dma_start3A, %dma_start3A_102] : memref<80x128xf32, #tpu.memory_space<vmem>> -> memref<80x128xf32, #tpu.memory_space<vmem>>
        %dma_start3A_104 = arith.constant 0 : i32
        %dma_start3A_105 = tpu.memref_slice %arg11[%add3A_101, %dma_start3A_104] : memref<10000x128xf32, #tpu.memory_space<vmem_shared>> -> memref<80x128xf32, #tpu.memory_space<vmem_shared>>
        %dma_start3A_106 = arith.constant 0 : i32
        %dma_start3A_107 = tpu.memref_slice %arg11[%add3A_101, %dma_start3A_106] : memref<10000x128xf32, #tpu.memory_space<vmem_shared>> -> memref<80x128xf32, #tpu.memory_space<vmem_shared>>
        %dma_start3A_108 = arith.constant 0 : i32
        %dma_start3A_109 = arith.constant 0 : i32
        %dma_start3A_110 = tpu.memref_slice %arg10[%dma_start3A_108, %dma_start3A_109] : memref<80x128xf32, #tpu.memory_space<vmem>> -> memref<80x128xf32, #tpu.memory_space<vmem>>
        tpu.enqueue_dma source(%dma_start3A_110 : memref<80x128xf32, #tpu.memory_space<vmem>>) target(%dma_start3A_107 : memref<80x128xf32, #tpu.memory_space<vmem_shared>>) target_semaphore(%run_scoped3A : memref<!tpu.dma_semaphore, #tpu.memory_space<semaphore_mem>>)
        %dma_wait3A = arith.constant 0 : i32
        %dma_wait3A_111 = arith.constant 0 : i32
        %dma_wait3A_112 = tpu.memref_slice %arg10[%dma_wait3A, %dma_wait3A_111] : memref<80x128xf32, #tpu.memory_space<vmem>> -> memref<80x128xf32, #tpu.memory_space<vmem>>
        %dma_wait3A_113 = arith.constant 0 : i32
        %dma_wait3A_114 = tpu.memref_slice %arg11[%add3A_101, %dma_wait3A_113] : memref<10000x128xf32, #tpu.memory_space<vmem_shared>> -> memref<80x128xf32, #tpu.memory_space<vmem_shared>>
        %dma_wait3A_115 = arith.constant 0 : i32
        %dma_wait3A_116 = tpu.memref_slice %arg11[%add3A_101, %dma_wait3A_115] : memref<10000x128xf32, #tpu.memory_space<vmem_shared>> -> memref<80x128xf32, #tpu.memory_space<vmem_shared>>
        %dma_wait3A_117 = arith.constant 0 : i32
        %dma_wait3A_118 = arith.constant 0 : i32
        %dma_wait3A_119 = tpu.memref_slice %arg10[%dma_wait3A_117, %dma_wait3A_118] : memref<80x128xf32, #tpu.memory_space<vmem>> -> memref<80x128xf32, #tpu.memory_space<vmem>>
        tpu.wait_dma2 semaphore(%run_scoped3A : memref<!tpu.dma_semaphore, #tpu.memory_space<semaphore_mem>>) src(%dma_wait3A_119 : memref<80x128xf32, #tpu.memory_space<vmem>>) dst(%dma_wait3A_116 : memref<80x128xf32, #tpu.memory_space<vmem_shared>>)
        tpu.yield
      }) : () -> ()
    }
    %while3A_44 = arith.constant 1 : i32
    scf.for %while3A_96 = %while3A_42 to %while3A_38 step %while3A_44  : i32 {
      %mul3A_97 = arith.muli %while3A_96, %while3A : i32
      %add3A_98 = arith.addi %while3A_35, %mul3A_97 : i32
      %mul3A_99 = arith.constant 80 : i32
      %mul3A_100 = arith.muli %add3A_98, %mul3A_99 : i32
      %add3A_101 = arith.addi %mul3A_7, %mul3A_100 : i32
      "tpu.region"() ({
        %run_scoped3A = tpu.sem_alloc : memref<!tpu.dma_semaphore, #tpu.memory_space<semaphore_mem>>
        %dma_start3A = arith.constant 0 : i32
        %dma_start3A_102 = arith.constant 0 : i32
        %dma_start3A_103 = tpu.memref_slice %arg10[%dma_start3A, %dma_start3A_102] : memref<80x128xf32, #tpu.memory_space<vmem>> -> memref<80x128xf32, #tpu.memory_space<vmem>>
        %dma_start3A_104 = arith.constant 0 : i32
        %dma_start3A_105 = tpu.memref_slice %arg11[%add3A_101, %dma_start3A_104] : memref<10000x128xf32, #tpu.memory_space<vmem_shared>> -> memref<80x128xf32, #tpu.memory_space<vmem_shared>>
        %dma_start3A_106 = arith.constant 0 : i32
        %dma_start3A_107 = tpu.memref_slice %arg11[%add3A_101, %dma_start3A_106] : memref<10000x128xf32, #tpu.memory_space<vmem_shared>> -> memref<80x128xf32, #tpu.memory_space<vmem_shared>>
        %dma_start3A_108 = arith.constant 0 : i32
        %dma_start3A_109 = arith.constant 0 : i32
        %dma_start3A_110 = tpu.memref_slice %arg10[%dma_start3A_108, %dma_start3A_109] : memref<80x128xf32, #tpu.memory_space<vmem>> -> memref<80x128xf32, #tpu.memory_space<vmem>>
        tpu.enqueue_dma source(%dma_start3A_110 : memref<80x128xf32, #tpu.memory_space<vmem>>) target(%dma_start3A_107 : memref<80x128xf32, #tpu.memory_space<vmem_shared>>) target_semaphore(%run_scoped3A : memref<!tpu.dma_semaphore, #tpu.memory_space<semaphore_mem>>)
        %dma_wait3A = arith.constant 0 : i32
        %dma_wait3A_111 = arith.constant 0 : i32
        %dma_wait3A_112 = tpu.memref_slice %arg10[%dma_wait3A, %dma_wait3A_111] : memref<80x128xf32, #tpu.memory_space<vmem>> -> memref<80x128xf32, #tpu.memory_space<vmem>>
        %dma_wait3A_113 = arith.constant 0 : i32
        %dma_wait3A_114 = tpu.memref_slice %arg11[%add3A_101, %dma_wait3A_113] : memref<10000x128xf32, #tpu.memory_space<vmem_shared>> -> memref<80x128xf32, #tpu.memory_space<vmem_shared>>
        %dma_wait3A_115 = arith.constant 0 : i32
        %dma_wait3A_116 = tpu.memref_slice %arg11[%add3A_101, %dma_wait3A_115] : memref<10000x128xf32, #tpu.memory_space<vmem_shared>> -> memref<80x128xf32, #tpu.memory_space<vmem_shared>>
        %dma_wait3A_117 = arith.constant 0 : i32
        %dma_wait3A_118 = arith.constant 0 : i32
        %dma_wait3A_119 = tpu.memref_slice %arg10[%dma_wait3A_117, %dma_wait3A_118] : memref<80x128xf32, #tpu.memory_space<vmem>> -> memref<80x128xf32, #tpu.memory_space<vmem>>
        tpu.wait_dma2 semaphore(%run_scoped3A : memref<!tpu.dma_semaphore, #tpu.memory_space<semaphore_mem>>) src(%dma_wait3A_119 : memref<80x128xf32, #tpu.memory_space<vmem>>) dst(%dma_wait3A_116 : memref<80x128xf32, #tpu.memory_space<vmem_shared>>)
        tpu.yield
      }) : () -> ()
    }
    %barrier3A = arith.constant 0 : index
    tpu.barrier barrier_id(%barrier3A)
    %mul3A_45 = arith.constant 10000 : i32
    %mul3A_46 = arith.muli %add3A, %mul3A_45 : i32
    %scan3A_47 = arith.constant 0 : i32
    %scan3A_48 = arith.constant 125 : i32
    %scan3A_49 = arith.addi %scan3A_47, %scan3A_48 : i32
    %scan3A_50 = arith.constant 1 : i32
    scf.for %scan3A_96 = %scan3A_47 to %scan3A_49 step %scan3A_50  : i32 {
      %mul3A_97 = arith.constant 1 : i32
      %mul3A_98 = arith.muli %scan3A_96, %mul3A_97 : i32
      %add3A_99 = arith.constant 0 : i32
      %add3A_100 = arith.addi %add3A_99, %mul3A_98 : i32
      %mul3A_101 = arith.constant 80 : i32
      %mul3A_102 = arith.muli %add3A_100, %mul3A_101 : i32
      %add3A_103 = arith.addi %mul3A_46, %mul3A_102 : i32
      "tpu.region"() ({
        %run_scoped3A = tpu.sem_alloc : memref<!tpu.dma_semaphore, #tpu.memory_space<semaphore_mem>>
        %dma_start3A = tpu.memref_slice %arg3[%add3A_103] : memref<320000xi32, #tpu.memory_space<hbm>> -> memref<80xi32, #tpu.memory_space<hbm>>
        %dma_start3A_109 = tpu.memref_slice %arg3[%add3A_103] : memref<320000xi32, #tpu.memory_space<hbm>> -> memref<80xi32, #tpu.memory_space<hbm>>
        tpu.enqueue_dma source(%dma_start3A_109 : memref<80xi32, #tpu.memory_space<hbm>>) target(%arg7 : memref<80xi32, #tpu.memory_space<vmem>>) target_semaphore(%run_scoped3A : memref<!tpu.dma_semaphore, #tpu.memory_space<semaphore_mem>>)
        %dma_wait3A = tpu.memref_slice %arg3[%add3A_103] : memref<320000xi32, #tpu.memory_space<hbm>> -> memref<80xi32, #tpu.memory_space<hbm>>
        %dma_wait3A_110 = tpu.memref_slice %arg3[%add3A_103] : memref<320000xi32, #tpu.memory_space<hbm>> -> memref<80xi32, #tpu.memory_space<hbm>>
        tpu.wait_dma2 semaphore(%run_scoped3A : memref<!tpu.dma_semaphore, #tpu.memory_space<semaphore_mem>>) src(%dma_wait3A_110 : memref<80xi32, #tpu.memory_space<hbm>>) dst(%arg7 : memref<80xi32, #tpu.memory_space<vmem>>)
        tpu.yield
      }) : () -> ()
      "tpu.region"() ({
        %run_scoped3A = tpu.sem_alloc : memref<!tpu.dma_semaphore, #tpu.memory_space<semaphore_mem>>
        %dma_start3A = tpu.memref_slice %arg4[%add3A_103] : memref<320000xi32, #tpu.memory_space<hbm>> -> memref<80xi32, #tpu.memory_space<hbm>>
        %dma_start3A_109 = tpu.memref_slice %arg4[%add3A_103] : memref<320000xi32, #tpu.memory_space<hbm>> -> memref<80xi32, #tpu.memory_space<hbm>>
        tpu.enqueue_dma source(%dma_start3A_109 : memref<80xi32, #tpu.memory_space<hbm>>) target(%arg8 : memref<80xi32, #tpu.memory_space<vmem>>) target_semaphore(%run_scoped3A : memref<!tpu.dma_semaphore, #tpu.memory_space<semaphore_mem>>)
        %dma_wait3A = tpu.memref_slice %arg4[%add3A_103] : memref<320000xi32, #tpu.memory_space<hbm>> -> memref<80xi32, #tpu.memory_space<hbm>>
        %dma_wait3A_110 = tpu.memref_slice %arg4[%add3A_103] : memref<320000xi32, #tpu.memory_space<hbm>> -> memref<80xi32, #tpu.memory_space<hbm>>
        tpu.wait_dma2 semaphore(%run_scoped3A : memref<!tpu.dma_semaphore, #tpu.memory_space<semaphore_mem>>) src(%dma_wait3A_110 : memref<80xi32, #tpu.memory_space<hbm>>) dst(%arg8 : memref<80xi32, #tpu.memory_space<vmem>>)
        tpu.yield
      }) : () -> ()
      "tpu.region"() ({
        %run_scoped3A = tpu.sem_alloc : memref<!tpu.dma_semaphore, #tpu.memory_space<semaphore_mem>>
        %dma_start3A = tpu.memref_slice %arg5[%add3A_103] : memref<320000xf32, #tpu.memory_space<hbm>> -> memref<80xf32, #tpu.memory_space<hbm>>
        %dma_start3A_109 = tpu.memref_slice %arg5[%add3A_103] : memref<320000xf32, #tpu.memory_space<hbm>> -> memref<80xf32, #tpu.memory_space<hbm>>
        tpu.enqueue_dma source(%dma_start3A_109 : memref<80xf32, #tpu.memory_space<hbm>>) target(%arg9 : memref<80xf32, #tpu.memory_space<vmem>>) target_semaphore(%run_scoped3A : memref<!tpu.dma_semaphore, #tpu.memory_space<semaphore_mem>>)
        %dma_wait3A = tpu.memref_slice %arg5[%add3A_103] : memref<320000xf32, #tpu.memory_space<hbm>> -> memref<80xf32, #tpu.memory_space<hbm>>
        %dma_wait3A_110 = tpu.memref_slice %arg5[%add3A_103] : memref<320000xf32, #tpu.memory_space<hbm>> -> memref<80xf32, #tpu.memory_space<hbm>>
        tpu.wait_dma2 semaphore(%run_scoped3A : memref<!tpu.dma_semaphore, #tpu.memory_space<semaphore_mem>>) src(%dma_wait3A_110 : memref<80xf32, #tpu.memory_space<hbm>>) dst(%arg9 : memref<80xf32, #tpu.memory_space<vmem>>)
        tpu.yield
      }) : () -> ()
      "tpu.region"() ({
        %run_scoped3A = tpu.sem_alloc : memref<!tpu.dma_semaphore, #tpu.memory_space<semaphore_mem>>
        %dma_start3A = arith.constant 0 : i32
        %dma_start3A_109 = arith.constant 0 : i32
        %dma_start3A_110 = tpu.memref_slice %arg2[%dma_start3A, %dma_start3A_109] : memref<10000x128xf32, #tpu.memory_space<hbm>> -> memref<10000x128xf32, #tpu.memory_space<hbm>>
        tpu.enqueue_indirect_dma source(%dma_start3A_110 : memref<10000x128xf32, #tpu.memory_space<hbm>>) target(%arg10 : memref<80x128xf32, #tpu.memory_space<vmem>>) offsets(%arg8 : memref<80xi32, #tpu.memory_space<vmem>>) semaphore(%run_scoped3A : memref<!tpu.dma_semaphore, #tpu.memory_space<semaphore_mem>>)
        %dma_wait3A = arith.constant 0 : i32
        %dma_wait3A_111 = arith.constant 0 : i32
        %dma_wait3A_112 = tpu.memref_slice %arg2[%dma_wait3A, %dma_wait3A_111] : memref<10000x128xf32, #tpu.memory_space<hbm>> -> memref<10000x128xf32, #tpu.memory_space<hbm>>
        tpu.wait_indirect_dma semaphore(%run_scoped3A : memref<!tpu.dma_semaphore, #tpu.memory_space<semaphore_mem>>) src(%dma_wait3A_112 : memref<10000x128xf32, #tpu.memory_space<hbm>>) dst(%arg10 : memref<80x128xf32, #tpu.memory_space<vmem>>)
        tpu.yield
      }) : () -> ()
      %scan3A_104 = arith.constant 0 : i32
      %scan3A_105 = arith.constant 80 : i32
      %scan3A_106 = arith.addi %scan3A_104, %scan3A_105 : i32
      %scan3A_107 = arith.constant 1 : i32
      scf.for %scan3A_109 = %scan3A_104 to %scan3A_106 step %scan3A_107  : i32 {
        %mul3A_110 = arith.constant 1 : i32
        %mul3A_111 = arith.muli %scan3A_109, %mul3A_110 : i32
        %add3A_112 = arith.constant 0 : i32
        %add3A_113 = arith.addi %add3A_112, %mul3A_111 : i32
        %broadcast_in_dim3A_114 = vector.broadcast %add3A_113 : i32 to vector<16xi32>
        %gather3A = tpu.vector_load_idx %arg9[%broadcast_in_dim3A_114] : memref<80xf32, #tpu.memory_space<vmem>>[vector<16xi32>], vector<16xf32>,
        %get3A = arith.index_cast %add3A_113 : i32 to index
        %get3A_115 = arith.constant 0 : index
        %get3A_116 = tpu.vector_load %arg10[%get3A, %get3A_115] {strides = array<i32>} : memref<80x128xf32, #tpu.memory_space<vmem>>, vector<16xf32>,
        %mul3A_117 = arith.mulf %get3A_116, %gather3A : vector<16xf32>
        %swap3A = arith.index_cast %add3A_113 : i32 to index
        %swap3A_118 = arith.constant 0 : index
        %swap3A_119 = tpu.vector_load %arg10[%swap3A, %swap3A_118] {strides = array<i32>} : memref<80x128xf32, #tpu.memory_space<vmem>>, vector<16xf32>,
        tpu.vector_store %arg10[%swap3A, %swap3A_118], %mul3A_117 {strides = array<i32>} : memref<80x128xf32, #tpu.memory_space<vmem>>, vector<16xf32>,
        %get3A_120 = arith.index_cast %add3A_113 : i32 to index
        %get3A_121 = arith.constant 16 : index
        %get3A_122 = tpu.vector_load %arg10[%get3A_120, %get3A_121] {strides = array<i32>} : memref<80x128xf32, #tpu.memory_space<vmem>>, vector<16xf32>,
        %mul3A_123 = arith.mulf %get3A_122, %gather3A : vector<16xf32>
        %swap3A_124 = arith.index_cast %add3A_113 : i32 to index
        %swap3A_125 = arith.constant 16 : index
        %swap3A_126 = tpu.vector_load %arg10[%swap3A_124, %swap3A_125] {strides = array<i32>} : memref<80x128xf32, #tpu.memory_space<vmem>>, vector<16xf32>,
        tpu.vector_store %arg10[%swap3A_124, %swap3A_125], %mul3A_123 {strides = array<i32>} : memref<80x128xf32, #tpu.memory_space<vmem>>, vector<16xf32>,
        %get3A_127 = arith.index_cast %add3A_113 : i32 to index
        %get3A_128 = arith.constant 32 : index
        %get3A_129 = tpu.vector_load %arg10[%get3A_127, %get3A_128] {strides = array<i32>} : memref<80x128xf32, #tpu.memory_space<vmem>>, vector<16xf32>,
        %mul3A_130 = arith.mulf %get3A_129, %gather3A : vector<16xf32>
        %swap3A_131 = arith.index_cast %add3A_113 : i32 to index
        %swap3A_132 = arith.constant 32 : index
        %swap3A_133 = tpu.vector_load %arg10[%swap3A_131, %swap3A_132] {strides = array<i32>} : memref<80x128xf32, #tpu.memory_space<vmem>>, vector<16xf32>,
        tpu.vector_store %arg10[%swap3A_131, %swap3A_132], %mul3A_130 {strides = array<i32>} : memref<80x128xf32, #tpu.memory_space<vmem>>, vector<16xf32>,
        %get3A_134 = arith.index_cast %add3A_113 : i32 to index
        %get3A_135 = arith.constant 48 : index
        %get3A_136 = tpu.vector_load %arg10[%get3A_134, %get3A_135] {strides = array<i32>} : memref<80x128xf32, #tpu.memory_space<vmem>>, vector<16xf32>,
        %mul3A_137 = arith.mulf %get3A_136, %gather3A : vector<16xf32>
        %swap3A_138 = arith.index_cast %add3A_113 : i32 to index
        %swap3A_139 = arith.constant 48 : index
        %swap3A_140 = tpu.vector_load %arg10[%swap3A_138, %swap3A_139] {strides = array<i32>} : memref<80x128xf32, #tpu.memory_space<vmem>>, vector<16xf32>,
        tpu.vector_store %arg10[%swap3A_138, %swap3A_139], %mul3A_137 {strides = array<i32>} : memref<80x128xf32, #tpu.memory_space<vmem>>, vector<16xf32>,
        %get3A_141 = arith.index_cast %add3A_113 : i32 to index
        %get3A_142 = arith.constant 64 : index
        %get3A_143 = tpu.vector_load %arg10[%get3A_141, %get3A_142] {strides = array<i32>} : memref<80x128xf32, #tpu.memory_space<vmem>>, vector<16xf32>,
        %mul3A_144 = arith.mulf %get3A_143, %gather3A : vector<16xf32>
        %swap3A_145 = arith.index_cast %add3A_113 : i32 to index
        %swap3A_146 = arith.constant 64 : index
        %swap3A_147 = tpu.vector_load %arg10[%swap3A_145, %swap3A_146] {strides = array<i32>} : memref<80x128xf32, #tpu.memory_space<vmem>>, vector<16xf32>,
        tpu.vector_store %arg10[%swap3A_145, %swap3A_146], %mul3A_144 {strides = array<i32>} : memref<80x128xf32, #tpu.memory_space<vmem>>, vector<16xf32>,
        %get3A_148 = arith.index_cast %add3A_113 : i32 to index
        %get3A_149 = arith.constant 80 : index
        %get3A_150 = tpu.vector_load %arg10[%get3A_148, %get3A_149] {strides = array<i32>} : memref<80x128xf32, #tpu.memory_space<vmem>>, vector<16xf32>,
        %mul3A_151 = arith.mulf %get3A_150, %gather3A : vector<16xf32>
        %swap3A_152 = arith.index_cast %add3A_113 : i32 to index
        %swap3A_153 = arith.constant 80 : index
        %swap3A_154 = tpu.vector_load %arg10[%swap3A_152, %swap3A_153] {strides = array<i32>} : memref<80x128xf32, #tpu.memory_space<vmem>>, vector<16xf32>,
        tpu.vector_store %arg10[%swap3A_152, %swap3A_153], %mul3A_151 {strides = array<i32>} : memref<80x128xf32, #tpu.memory_space<vmem>>, vector<16xf32>,
        %get3A_155 = arith.index_cast %add3A_113 : i32 to index
        %get3A_156 = arith.constant 96 : index
        %get3A_157 = tpu.vector_load %arg10[%get3A_155, %get3A_156] {strides = array<i32>} : memref<80x128xf32, #tpu.memory_space<vmem>>, vector<16xf32>,
        %mul3A_158 = arith.mulf %get3A_157, %gather3A : vector<16xf32>
        %swap3A_159 = arith.index_cast %add3A_113 : i32 to index
        %swap3A_160 = arith.constant 96 : index
        %swap3A_161 = tpu.vector_load %arg10[%swap3A_159, %swap3A_160] {strides = array<i32>} : memref<80x128xf32, #tpu.memory_space<vmem>>, vector<16xf32>,
        tpu.vector_store %arg10[%swap3A_159, %swap3A_160], %mul3A_158 {strides = array<i32>} : memref<80x128xf32, #tpu.memory_space<vmem>>, vector<16xf32>,
        %get3A_162 = arith.index_cast %add3A_113 : i32 to index
        %get3A_163 = arith.constant 112 : index
        %get3A_164 = tpu.vector_load %arg10[%get3A_162, %get3A_163] {strides = array<i32>} : memref<80x128xf32, #tpu.memory_space<vmem>>, vector<16xf32>,
        %mul3A_165 = arith.mulf %get3A_164, %gather3A : vector<16xf32>
        %swap3A_166 = arith.index_cast %add3A_113 : i32 to index
        %swap3A_167 = arith.constant 112 : index
        %swap3A_168 = tpu.vector_load %arg10[%swap3A_166, %swap3A_167] {strides = array<i32>} : memref<80x128xf32, #tpu.memory_space<vmem>>, vector<16xf32>,
        tpu.vector_store %arg10[%swap3A_166, %swap3A_167], %mul3A_165 {strides = array<i32>} : memref<80x128xf32, #tpu.memory_space<vmem>>, vector<16xf32>,
      }
      %scan3A_108 = arith.constant 80 : i32
      "tpu.region"() ({
        %run_scoped3A = tpu.sem_alloc : memref<!tpu.dma_semaphore, #tpu.memory_space<semaphore_mem>>
        %dma_start3A = arith.constant 0 : i32
        %dma_start3A_109 = arith.constant 0 : i32
        %dma_start3A_110 = tpu.memref_slice %arg11[%dma_start3A, %dma_start3A_109] : memref<10000x128xf32, #tpu.memory_space<vmem_shared>> -> memref<10000x128xf32, #tpu.memory_space<vmem_shared>>
        tpu.enqueue_indirect_dma source(%arg10 : memref<80x128xf32, #tpu.memory_space<vmem>>) target(%dma_start3A_110 : memref<10000x128xf32, #tpu.memory_space<vmem_shared>>) offsets(%arg7 : memref<80xi32, #tpu.memory_space<vmem>>) semaphore(%run_scoped3A : memref<!tpu.dma_semaphore, #tpu.memory_space<semaphore_mem>>) {add = true}
        %dma_wait3A = arith.constant 0 : i32
        %dma_wait3A_111 = arith.constant 0 : i32
        %dma_wait3A_112 = tpu.memref_slice %arg11[%dma_wait3A, %dma_wait3A_111] : memref<10000x128xf32, #tpu.memory_space<vmem_shared>> -> memref<10000x128xf32, #tpu.memory_space<vmem_shared>>
        tpu.wait_indirect_dma semaphore(%run_scoped3A : memref<!tpu.dma_semaphore, #tpu.memory_space<semaphore_mem>>) src(%arg10 : memref<80x128xf32, #tpu.memory_space<vmem>>) dst(%dma_wait3A_112 : memref<10000x128xf32, #tpu.memory_space<vmem_shared>>)
        tpu.yield
      }) : () -> ()
    }
    %scan3A_51 = arith.constant 125 : i32
    %barrier3A_52 = arith.constant 0 : index
    tpu.barrier barrier_id(%barrier3A_52)
    %jit3A_53 = arith.constant 80 : i32
    %div3A_54 = arith.divsi %min3A_9, %jit3A_53 : i32
    %sign3A_55 = arith.constant 0 : i32
    %sign3A_56 = arith.cmpi sgt, %min3A_9, %sign3A_55 : i32
    %sign3A_57 = arith.extui %sign3A_56 : i1 to i32
    %sign3A_58 = arith.constant 0 : i32
    %sign3A_59 = arith.cmpi slt, %min3A_9, %sign3A_58 : i32
    %sign3A_60 = arith.extui %sign3A_59 : i1 to i32
    %sign3A_61 = arith.subi %sign3A_57, %sign3A_60 : i32
    %sign3A_62 = arith.constant 0 : i32
    %sign3A_63 = arith.cmpi sgt, %jit3A_53, %sign3A_62 : i32
    %sign3A_64 = arith.extui %sign3A_63 : i1 to i32
    %sign3A_65 = arith.constant 0 : i32
    %sign3A_66 = arith.cmpi slt, %jit3A_53, %sign3A_65 : i32
    %sign3A_67 = arith.extui %sign3A_66 : i1 to i32
    %sign3A_68 = arith.subi %sign3A_64, %sign3A_67 : i32
    %ne3A_69 = arith.cmpi ne, %sign3A_61, %sign3A_68 : i32
    %rem3A_70 = arith.remsi %min3A_9, %jit3A_53 : i32
    %ne3A_71 = arith.constant 0 : i32
    %ne3A_72 = arith.cmpi ne, %rem3A_70, %ne3A_71 : i32
    %and3A_73 = arith.andi %ne3A_69, %ne3A_72 : i1
    %sub3A_74 = arith.constant 1 : i32
    %sub3A_75 = arith.subi %div3A_54, %sub3A_74 : i32
    %select_n3A_76 = arith.select %and3A_73, %sub3A_75, %div3A_54 : i32
    %sub3A_77 = arith.constant 0 : i32
    %sub3A_78 = arith.subi %select_n3A_76, %sub3A_77 : i32
    %sub3A_79 = arith.constant 1 : i32
    %sub3A_80 = arith.constant 1 : i32
    %sub3A_81 = arith.subi %sub3A_79, %sub3A_80 : i32
    %add3A_82 = arith.addi %sub3A_78, %sub3A_81 : i32
    %div3A_83 = arith.constant 1 : i32
    %div3A_84 = arith.divsi %add3A_82, %div3A_83 : i32
    %while3A_85 = arith.constant 1 : i32
    %while3A_86 = arith.constant 0 : i32
    %while3A_87 = arith.constant 0 : i32
    %while3A_88 = arith.subi %div3A_84, %while3A_87 : i32
    %while3A_89 = arith.addi %while3A_87, %while3A_88 : i32
    %while3A_90 = arith.constant 1 : i32
    %while3A_91 = arith.divsi %while3A_88, %while3A_90 : i32
    %while3A_92 = arith.muli %while3A_91, %while3A_90 : i32
    %while3A_93 = arith.addi %while3A_87, %while3A_92 : i32
    %while3A_94 = arith.constant 1 : i32
    scf.for %while3A_96 = %while3A_87 to %while3A_93 step %while3A_94  : i32 {
      %mul3A_97 = arith.muli %while3A_96, %while3A_85 : i32
      %add3A_98 = arith.addi %while3A_86, %mul3A_97 : i32
      %mul3A_99 = arith.constant 80 : i32
      %mul3A_100 = arith.muli %add3A_98, %mul3A_99 : i32
      %add3A_101 = arith.addi %mul3A_7, %mul3A_100 : i32
      "tpu.region"() ({
        %run_scoped3A = tpu.sem_alloc : memref<!tpu.dma_semaphore, #tpu.memory_space<semaphore_mem>>
        %dma_start3A = arith.constant 0 : i32
        %dma_start3A_102 = tpu.memref_slice %arg11[%add3A_101, %dma_start3A] : memref<10000x128xf32, #tpu.memory_space<vmem_shared>> -> memref<80x128xf32, #tpu.memory_space<vmem_shared>>
        %dma_start3A_103 = arith.constant 0 : i32
        %dma_start3A_104 = tpu.memref_slice %arg11[%add3A_101, %dma_start3A_103] : memref<10000x128xf32, #tpu.memory_space<vmem_shared>> -> memref<80x128xf32, #tpu.memory_space<vmem_shared>>
        tpu.enqueue_dma source(%dma_start3A_104 : memref<80x128xf32, #tpu.memory_space<vmem_shared>>) target(%arg10 : memref<80x128xf32, #tpu.memory_space<vmem>>) target_semaphore(%run_scoped3A : memref<!tpu.dma_semaphore, #tpu.memory_space<semaphore_mem>>)
        %dma_wait3A = arith.constant 0 : i32
        %dma_wait3A_105 = tpu.memref_slice %arg11[%add3A_101, %dma_wait3A] : memref<10000x128xf32, #tpu.memory_space<vmem_shared>> -> memref<80x128xf32, #tpu.memory_space<vmem_shared>>
        %dma_wait3A_106 = arith.constant 0 : i32
        %dma_wait3A_107 = tpu.memref_slice %arg11[%add3A_101, %dma_wait3A_106] : memref<10000x128xf32, #tpu.memory_space<vmem_shared>> -> memref<80x128xf32, #tpu.memory_space<vmem_shared>>
        tpu.wait_dma2 semaphore(%run_scoped3A : memref<!tpu.dma_semaphore, #tpu.memory_space<semaphore_mem>>) src(%dma_wait3A_107 : memref<80x128xf32, #tpu.memory_space<vmem_shared>>) dst(%arg10 : memref<80x128xf32, #tpu.memory_space<vmem>>)
        tpu.yield
      }) : () -> ()
      "tpu.region"() ({
        %run_scoped3A = tpu.sem_alloc : memref<!tpu.dma_semaphore, #tpu.memory_space<semaphore_mem>>
        %dma_start3A = arith.constant 0 : i32
        %dma_start3A_102 = tpu.memref_slice %arg6[%arg0, %add3A_101, %dma_start3A] : memref<2x10000x128xf32, #tpu.memory_space<hbm>> -> memref<1x80x128xf32, #tpu.memory_space<hbm>>
        %dma_start3A_103 = tpu.memref_squeeze %dma_start3A_102 : memref<1x80x128xf32, #tpu.memory_space<hbm>> -> memref<80x128xf32, #tpu.memory_space<hbm>>
        %dma_start3A_104 = arith.constant 0 : i32
        %dma_start3A_105 = tpu.memref_slice %arg6[%arg0, %add3A_101, %dma_start3A_104] : memref<2x10000x128xf32, #tpu.memory_space<hbm>> -> memref<1x80x128xf32, #tpu.memory_space<hbm>>
        %dma_start3A_106 = tpu.memref_squeeze %dma_start3A_105 : memref<1x80x128xf32, #tpu.memory_space<hbm>> -> memref<80x128xf32, #tpu.memory_space<hbm>>
        tpu.enqueue_dma source(%arg10 : memref<80x128xf32, #tpu.memory_space<vmem>>) target(%dma_start3A_106 : memref<80x128xf32, #tpu.memory_space<hbm>>) target_semaphore(%run_scoped3A : memref<!tpu.dma_semaphore, #tpu.memory_space<semaphore_mem>>)
        %dma_wait3A = arith.constant 0 : i32
        %dma_wait3A_107 = tpu.memref_slice %arg6[%arg0, %add3A_101, %dma_wait3A] : memref<2x10000x128xf32, #tpu.memory_space<hbm>> -> memref<1x80x128xf32, #tpu.memory_space<hbm>>
        %dma_wait3A_108 = tpu.memref_squeeze %dma_wait3A_107 : memref<1x80x128xf32, #tpu.memory_space<hbm>> -> memref<80x128xf32, #tpu.memory_space<hbm>>
        %dma_wait3A_109 = arith.constant 0 : i32
        %dma_wait3A_110 = tpu.memref_slice %arg6[%arg0, %add3A_101, %dma_wait3A_109] : memref<2x10000x128xf32, #tpu.memory_space<hbm>> -> memref<1x80x128xf32, #tpu.memory_space<hbm>>
        %dma_wait3A_111 = tpu.memref_squeeze %dma_wait3A_110 : memref<1x80x128xf32, #tpu.memory_space<hbm>> -> memref<80x128xf32, #tpu.memory_space<hbm>>
        tpu.wait_dma2 semaphore(%run_scoped3A : memref<!tpu.dma_semaphore, #tpu.memory_space<semaphore_mem>>) src(%arg10 : memref<80x128xf32, #tpu.memory_space<vmem>>) dst(%dma_wait3A_111 : memref<80x128xf32, #tpu.memory_space<hbm>>)
        tpu.yield
      }) : () -> ()
    }
    %while3A_95 = arith.constant 1 : i32
    scf.for %while3A_96 = %while3A_93 to %while3A_89 step %while3A_95  : i32 {
      %mul3A_97 = arith.muli %while3A_96, %while3A_85 : i32
      %add3A_98 = arith.addi %while3A_86, %mul3A_97 : i32
      %mul3A_99 = arith.constant 80 : i32
      %mul3A_100 = arith.muli %add3A_98, %mul3A_99 : i32
      %add3A_101 = arith.addi %mul3A_7, %mul3A_100 : i32
      "tpu.region"() ({
        %run_scoped3A = tpu.sem_alloc : memref<!tpu.dma_semaphore, #tpu.memory_space<semaphore_mem>>
        %dma_start3A = arith.constant 0 : i32
        %dma_start3A_102 = tpu.memref_slice %arg11[%add3A_101, %dma_start3A] : memref<10000x128xf32, #tpu.memory_space<vmem_shared>> -> memref<80x128xf32, #tpu.memory_space<vmem_shared>>
        %dma_start3A_103 = arith.constant 0 : i32
        %dma_start3A_104 = tpu.memref_slice %arg11[%add3A_101, %dma_start3A_103] : memref<10000x128xf32, #tpu.memory_space<vmem_shared>> -> memref<80x128xf32, #tpu.memory_space<vmem_shared>>
        tpu.enqueue_dma source(%dma_start3A_104 : memref<80x128xf32, #tpu.memory_space<vmem_shared>>) target(%arg10 : memref<80x128xf32, #tpu.memory_space<vmem>>) target_semaphore(%run_scoped3A : memref<!tpu.dma_semaphore, #tpu.memory_space<semaphore_mem>>)
        %dma_wait3A = arith.constant 0 : i32
        %dma_wait3A_105 = tpu.memref_slice %arg11[%add3A_101, %dma_wait3A] : memref<10000x128xf32, #tpu.memory_space<vmem_shared>> -> memref<80x128xf32, #tpu.memory_space<vmem_shared>>
        %dma_wait3A_106 = arith.constant 0 : i32
        %dma_wait3A_107 = tpu.memref_slice %arg11[%add3A_101, %dma_wait3A_106] : memref<10000x128xf32, #tpu.memory_space<vmem_shared>> -> memref<80x128xf32, #tpu.memory_space<vmem_shared>>
        tpu.wait_dma2 semaphore(%run_scoped3A : memref<!tpu.dma_semaphore, #tpu.memory_space<semaphore_mem>>) src(%dma_wait3A_107 : memref<80x128xf32, #tpu.memory_space<vmem_shared>>) dst(%arg10 : memref<80x128xf32, #tpu.memory_space<vmem>>)
        tpu.yield
      }) : () -> ()
      "tpu.region"() ({
        %run_scoped3A = tpu.sem_alloc : memref<!tpu.dma_semaphore, #tpu.memory_space<semaphore_mem>>
        %dma_start3A = arith.constant 0 : i32
        %dma_start3A_102 = tpu.memref_slice %arg6[%arg0, %add3A_101, %dma_start3A] : memref<2x10000x128xf32, #tpu.memory_space<hbm>> -> memref<1x80x128xf32, #tpu.memory_space<hbm>>
        %dma_start3A_103 = tpu.memref_squeeze %dma_start3A_102 : memref<1x80x128xf32, #tpu.memory_space<hbm>> -> memref<80x128xf32, #tpu.memory_space<hbm>>
        %dma_start3A_104 = arith.constant 0 : i32
        %dma_start3A_105 = tpu.memref_slice %arg6[%arg0, %add3A_101, %dma_start3A_104] : memref<2x10000x128xf32, #tpu.memory_space<hbm>> -> memref<1x80x128xf32, #tpu.memory_space<hbm>>
        %dma_start3A_106 = tpu.memref_squeeze %dma_start3A_105 : memref<1x80x128xf32, #tpu.memory_space<hbm>> -> memref<80x128xf32, #tpu.memory_space<hbm>>
        tpu.enqueue_dma source(%arg10 : memref<80x128xf32, #tpu.memory_space<vmem>>) target(%dma_start3A_106 : memref<80x128xf32, #tpu.memory_space<hbm>>) target_semaphore(%run_scoped3A : memref<!tpu.dma_semaphore, #tpu.memory_space<semaphore_mem>>)
        %dma_wait3A = arith.constant 0 : i32
        %dma_wait3A_107 = tpu.memref_slice %arg6[%arg0, %add3A_101, %dma_wait3A] : memref<2x10000x128xf32, #tpu.memory_space<hbm>> -> memref<1x80x128xf32, #tpu.memory_space<hbm>>
        %dma_wait3A_108 = tpu.memref_squeeze %dma_wait3A_107 : memref<1x80x128xf32, #tpu.memory_space<hbm>> -> memref<80x128xf32, #tpu.memory_space<hbm>>
        %dma_wait3A_109 = arith.constant 0 : i32
        %dma_wait3A_110 = tpu.memref_slice %arg6[%arg0, %add3A_101, %dma_wait3A_109] : memref<2x10000x128xf32, #tpu.memory_space<hbm>> -> memref<1x80x128xf32, #tpu.memory_space<hbm>>
        %dma_wait3A_111 = tpu.memref_squeeze %dma_wait3A_110 : memref<1x80x128xf32, #tpu.memory_space<hbm>> -> memref<80x128xf32, #tpu.memory_space<hbm>>
        tpu.wait_dma2 semaphore(%run_scoped3A : memref<!tpu.dma_semaphore, #tpu.memory_space<semaphore_mem>>) src(%arg10 : memref<80x128xf32, #tpu.memory_space<vmem>>) dst(%dma_wait3A_111 : memref<80x128xf32, #tpu.memory_space<hbm>>)
        tpu.yield
      }) : () -> ()
    }
    return
  }
}

#map = affine_map<(d0, d1) -> (0, 0)>
#map1 = affine_map<(d0, d1) -> (0)>
#map2 = affine_map<(d0, d1) -> (0, 0, 0)>
module attributes {stable_mosaic.version = 14 : i64} {
  func.func @run(%arg0: i32, %arg1: i32, %arg2: memref<10000x128xf32, #tpu.memory_space<hbm>>, %arg3: memref<320000xi32, #tpu.memory_space<hbm>>, %arg4: memref<320000xi32, #tpu.memory_space<hbm>>, %arg5: memref<320000xf32, #tpu.memory_space<hbm>>, %arg6: memref<2x10000x128xf32, #tpu.memory_space<hbm>>, %arg7: memref<80xi32, #tpu.memory_space<vmem>>, %arg8: memref<80xi32, #tpu.memory_space<vmem>>, %arg9: memref<80xf32, #tpu.memory_space<vmem>>, %arg10: memref<80x128xf32, #tpu.memory_space<vmem>>, %arg11: memref<10000x128xf32, #tpu.memory_space<vmem_shared>>) attributes {dimension_semantics = [#tpu.dimension_semantics<core_parallel>, #tpu.dimension_semantics<subcore_parallel>], iteration_bounds = array<i64: 2, 16>, scalar_prefetch = 0 : i64, scratch_operands = 5 : i64, tpu.core_type = #tpu.core_type<sc_vector_subcore>, window_params = [{transform_indices = #map}, {transform_indices = #map1}, {transform_indices = #map1}, {transform_indices = #map1}, {transform_indices = #map2}]} {
    %mul3A = arith.constant 16 : i32
    %mul3A_0 = arith.muli %arg0, %mul3A : i32
    %add3A = arith.addi %mul3A_0, %arg1 : i32
    %broadcast_in_dim3A = arith.constant 0.000000e+00 : f32
    %broadcast_in_dim3A_1 = vector.broadcast %broadcast_in_dim3A : f32 to vector<16xf32>
    %scan3A = arith.constant 0 : i32
    %scan3A_2 = arith.constant 80 : i32
    %scan3A_3 = arith.addi %scan3A, %scan3A_2 : i32
    %scan3A_4 = arith.constant 1 : i32
    scf.for %scan3A_96 = %scan3A to %scan3A_3 step %scan3A_4  : i32 {
      %mul3A_97 = arith.constant 1 : i32
      %mul3A_98 = arith.muli %scan3A_96, %mul3A_97 : i32
      %add3A_99 = arith.constant 0 : i32
      %add3A_100 = arith.addi %add3A_99, %mul3A_98 : i32
      %swap3A = arith.index_cast %add3A_100 : i32 to index
      %swap3A_101 = arith.constant 0 : index
      %swap3A_102 = tpu.vector_load %arg10[%swap3A, %swap3A_101] {strides = array<i32>} : memref<80x128xf32, #tpu.memory_space<vmem>>, vector<16xf32>,
      tpu.vector_store %arg10[%swap3A, %swap3A_101], %broadcast_in_dim3A_1 {strides = array<i32>} : memref<80x128xf32, #tpu.memory_space<vmem>>, vector<16xf32>,
      %swap3A_103 = arith.index_cast %add3A_100 : i32 to index
      %swap3A_104 = arith.constant 16 : index
      %swap3A_105 = tpu.vector_load %arg10[%swap3A_103, %swap3A_104] {strides = array<i32>} : memref<80x128xf32, #tpu.memory_space<vmem>>, vector<16xf32>,
      tpu.vector_store %arg10[%swap3A_103, %swap3A_104], %broadcast_in_dim3A_1 {strides = array<i32>} : memref<80x128xf32, #tpu.memory_space<vmem>>, vector<16xf32>,
      %swap3A_106 = arith.index_cast %add3A_100 : i32 to index
      %swap3A_107 = arith.constant 32 : index
      %swap3A_108 = tpu.vector_load %arg10[%swap3A_106, %swap3A_107] {strides = array<i32>} : memref<80x128xf32, #tpu.memory_space<vmem>>, vector<16xf32>,
      tpu.vector_store %arg10[%swap3A_106, %swap3A_107], %broadcast_in_dim3A_1 {strides = array<i32>} : memref<80x128xf32, #tpu.memory_space<vmem>>, vector<16xf32>,
      %swap3A_109 = arith.index_cast %add3A_100 : i32 to index
      %swap3A_110 = arith.constant 48 : index
      %swap3A_111 = tpu.vector_load %arg10[%swap3A_109, %swap3A_110] {strides = array<i32>} : memref<80x128xf32, #tpu.memory_space<vmem>>, vector<16xf32>,
      tpu.vector_store %arg10[%swap3A_109, %swap3A_110], %broadcast_in_dim3A_1 {strides = array<i32>} : memref<80x128xf32, #tpu.memory_space<vmem>>, vector<16xf32>,
      %swap3A_112 = arith.index_cast %add3A_100 : i32 to index
      %swap3A_113 = arith.constant 64 : index
      %swap3A_114 = tpu.vector_load %arg10[%swap3A_112, %swap3A_113] {strides = array<i32>} : memref<80x128xf32, #tpu.memory_space<vmem>>, vector<16xf32>,
      tpu.vector_store %arg10[%swap3A_112, %swap3A_113], %broadcast_in_dim3A_1 {strides = array<i32>} : memref<80x128xf32, #tpu.memory_space<vmem>>, vector<16xf32>,
      %swap3A_115 = arith.index_cast %add3A_100 : i32 to index
      %swap3A_116 = arith.constant 80 : index
      %swap3A_117 = tpu.vector_load %arg10[%swap3A_115, %swap3A_116] {strides = array<i32>} : memref<80x128xf32, #tpu.memory_space<vmem>>, vector<16xf32>,
      tpu.vector_store %arg10[%swap3A_115, %swap3A_116], %broadcast_in_dim3A_1 {strides = array<i32>} : memref<80x128xf32, #tpu.memory_space<vmem>>, vector<16xf32>,
      %swap3A_118 = arith.index_cast %add3A_100 : i32 to index
      %swap3A_119 = arith.constant 96 : index
      %swap3A_120 = tpu.vector_load %arg10[%swap3A_118, %swap3A_119] {strides = array<i32>} : memref<80x128xf32, #tpu.memory_space<vmem>>, vector<16xf32>,
      tpu.vector_store %arg10[%swap3A_118, %swap3A_119], %broadcast_in_dim3A_1 {strides = array<i32>} : memref<80x128xf32, #tpu.memory_space<vmem>>, vector<16xf32>,
      %swap3A_121 = arith.index_cast %add3A_100 : i32 to index
      %swap3A_122 = arith.constant 112 : index
      %swap3A_123 = tpu.vector_load %arg10[%swap3A_121, %swap3A_122] {strides = array<i32>} : memref<80x128xf32, #tpu.memory_space<vmem>>, vector<16xf32>,
      tpu.vector_store %arg10[%swap3A_121, %swap3A_122], %broadcast_in_dim3A_1 {strides = array<i32>} : memref<80x128xf32, #tpu.memory_space<vmem>>, vector<16xf32>,
    }
    %scan3A_5 = arith.constant 80 : i32
    %mul3A_6 = arith.constant 640 : i32
    %mul3A_7 = arith.muli %arg1, %mul3A_6 : i32
    %sub3A = arith.constant 10000 : i32
    %sub3A_8 = arith.subi %sub3A, %mul3A_7 : i32
    %min3A = arith.constant 640 : i32
    %min3A_9 = arith.minsi %min3A, %sub3A_8 : i32
    %jit3A = arith.constant 80 : i32
    %div3A = arith.divsi %min3A_9, %jit3A : i32
    %sign3A = arith.constant 0 : i32
    %sign3A_10 = arith.cmpi sgt, %min3A_9, %sign3A : i32
    %sign3A_11 = arith.extui %sign3A_10 : i1 to i32
    %sign3A_12 = arith.constant 0 : i32
    %sign3A_13 = arith.cmpi slt, %min3A_9, %sign3A_12 : i32
    %sign3A_14 = arith.extui %sign3A_13 : i1 to i32
    %sign3A_15 = arith.subi %sign3A_11, %sign3A_14 : i32
    %sign3A_16 = arith.constant 0 : i32
    %sign3A_17 = arith.cmpi sgt, %jit3A, %sign3A_16 : i32
    %sign3A_18 = arith.extui %sign3A_17 : i1 to i32
    %sign3A_19 = arith.constant 0 : i32
    %sign3A_20 = arith.cmpi slt, %jit3A, %sign3A_19 : i32
    %sign3A_21 = arith.extui %sign3A_20 : i1 to i32
    %sign3A_22 = arith.subi %sign3A_18, %sign3A_21 : i32
    %ne3A = arith.cmpi ne, %sign3A_15, %sign3A_22 : i32
    %rem3A = arith.remsi %min3A_9, %jit3A : i32
    %ne3A_23 = arith.constant 0 : i32
    %ne3A_24 = arith.cmpi ne, %rem3A, %ne3A_23 : i32
    %and3A = arith.andi %ne3A, %ne3A_24 : i1
    %sub3A_25 = arith.constant 1 : i32
    %sub3A_26 = arith.subi %div3A, %sub3A_25 : i32
    %select_n3A = arith.select %and3A, %sub3A_26, %div3A : i32
    %sub3A_27 = arith.constant 0 : i32
    %sub3A_28 = arith.subi %select_n3A, %sub3A_27 : i32
    %sub3A_29 = arith.constant 1 : i32
    %sub3A_30 = arith.constant 1 : i32
    %sub3A_31 = arith.subi %sub3A_29, %sub3A_30 : i32
    %add3A_32 = arith.addi %sub3A_28, %sub3A_31 : i32
    %div3A_33 = arith.constant 1 : i32
    %div3A_34 = arith.divsi %add3A_32, %div3A_33 : i32
    %while3A = arith.constant 1 : i32
    %while3A_35 = arith.constant 0 : i32
    %while3A_36 = arith.constant 0 : i32
    %while3A_37 = arith.subi %div3A_34, %while3A_36 : i32
    %while3A_38 = arith.addi %while3A_36, %while3A_37 : i32
    %while3A_39 = arith.constant 1 : i32
    %while3A_40 = arith.divsi %while3A_37, %while3A_39 : i32
    %while3A_41 = arith.muli %while3A_40, %while3A_39 : i32
    %while3A_42 = arith.addi %while3A_36, %while3A_41 : i32
    %while3A_43 = arith.constant 1 : i32
    scf.for %while3A_96 = %while3A_36 to %while3A_42 step %while3A_43  : i32 {
      %mul3A_97 = arith.muli %while3A_96, %while3A : i32
      %add3A_98 = arith.addi %while3A_35, %mul3A_97 : i32
      %mul3A_99 = arith.constant 80 : i32
      %mul3A_100 = arith.muli %add3A_98, %mul3A_99 : i32
      %add3A_101 = arith.addi %mul3A_7, %mul3A_100 : i32
      "tpu.region"() ({
        %run_scoped3A = tpu.sem_alloc : memref<!tpu.dma_semaphore, #tpu.memory_space<semaphore_mem>>
        %dma_start3A = arith.constant 0 : i32
        %dma_start3A_102 = arith.constant 0 : i32
        %dma_start3A_103 = tpu.memref_slice %arg10[%dma_start3A, %dma_start3A_102] : memref<80x128xf32, #tpu.memory_space<vmem>> -> memref<80x128xf32, #tpu.memory_space<vmem>>
        %dma_start3A_104 = arith.constant 0 : i32
        %dma_start3A_105 = tpu.memref_slice %arg11[%add3A_101, %dma_start3A_104] : memref<10000x128xf32, #tpu.memory_space<vmem_shared>> -> memref<80x128xf32, #tpu.memory_space<vmem_shared>>
        %dma_start3A_106 = arith.constant 0 : i32
        %dma_start3A_107 = tpu.memref_slice %arg11[%add3A_101, %dma_start3A_106] : memref<10000x128xf32, #tpu.memory_space<vmem_shared>> -> memref<80x128xf32, #tpu.memory_space<vmem_shared>>
        %dma_start3A_108 = arith.constant 0 : i32
        %dma_start3A_109 = arith.constant 0 : i32
        %dma_start3A_110 = tpu.memref_slice %arg10[%dma_start3A_108, %dma_start3A_109] : memref<80x128xf32, #tpu.memory_space<vmem>> -> memref<80x128xf32, #tpu.memory_space<vmem>>
        tpu.enqueue_dma source(%dma_start3A_110 : memref<80x128xf32, #tpu.memory_space<vmem>>) target(%dma_start3A_107 : memref<80x128xf32, #tpu.memory_space<vmem_shared>>) target_semaphore(%run_scoped3A : memref<!tpu.dma_semaphore, #tpu.memory_space<semaphore_mem>>)
        %dma_wait3A = arith.constant 0 : i32
        %dma_wait3A_111 = arith.constant 0 : i32
        %dma_wait3A_112 = tpu.memref_slice %arg10[%dma_wait3A, %dma_wait3A_111] : memref<80x128xf32, #tpu.memory_space<vmem>> -> memref<80x128xf32, #tpu.memory_space<vmem>>
        %dma_wait3A_113 = arith.constant 0 : i32
        %dma_wait3A_114 = tpu.memref_slice %arg11[%add3A_101, %dma_wait3A_113] : memref<10000x128xf32, #tpu.memory_space<vmem_shared>> -> memref<80x128xf32, #tpu.memory_space<vmem_shared>>
        %dma_wait3A_115 = arith.constant 0 : i32
        %dma_wait3A_116 = tpu.memref_slice %arg11[%add3A_101, %dma_wait3A_115] : memref<10000x128xf32, #tpu.memory_space<vmem_shared>> -> memref<80x128xf32, #tpu.memory_space<vmem_shared>>
        %dma_wait3A_117 = arith.constant 0 : i32
        %dma_wait3A_118 = arith.constant 0 : i32
        %dma_wait3A_119 = tpu.memref_slice %arg10[%dma_wait3A_117, %dma_wait3A_118] : memref<80x128xf32, #tpu.memory_space<vmem>> -> memref<80x128xf32, #tpu.memory_space<vmem>>
        tpu.wait_dma2 semaphore(%run_scoped3A : memref<!tpu.dma_semaphore, #tpu.memory_space<semaphore_mem>>) src(%dma_wait3A_119 : memref<80x128xf32, #tpu.memory_space<vmem>>) dst(%dma_wait3A_116 : memref<80x128xf32, #tpu.memory_space<vmem_shared>>)
        tpu.yield
      }) : () -> ()
    }
    %while3A_44 = arith.constant 1 : i32
    scf.for %while3A_96 = %while3A_42 to %while3A_38 step %while3A_44  : i32 {
      %mul3A_97 = arith.muli %while3A_96, %while3A : i32
      %add3A_98 = arith.addi %while3A_35, %mul3A_97 : i32
      %mul3A_99 = arith.constant 80 : i32
      %mul3A_100 = arith.muli %add3A_98, %mul3A_99 : i32
      %add3A_101 = arith.addi %mul3A_7, %mul3A_100 : i32
      "tpu.region"() ({
        %run_scoped3A = tpu.sem_alloc : memref<!tpu.dma_semaphore, #tpu.memory_space<semaphore_mem>>
        %dma_start3A = arith.constant 0 : i32
        %dma_start3A_102 = arith.constant 0 : i32
        %dma_start3A_103 = tpu.memref_slice %arg10[%dma_start3A, %dma_start3A_102] : memref<80x128xf32, #tpu.memory_space<vmem>> -> memref<80x128xf32, #tpu.memory_space<vmem>>
        %dma_start3A_104 = arith.constant 0 : i32
        %dma_start3A_105 = tpu.memref_slice %arg11[%add3A_101, %dma_start3A_104] : memref<10000x128xf32, #tpu.memory_space<vmem_shared>> -> memref<80x128xf32, #tpu.memory_space<vmem_shared>>
        %dma_start3A_106 = arith.constant 0 : i32
        %dma_start3A_107 = tpu.memref_slice %arg11[%add3A_101, %dma_start3A_106] : memref<10000x128xf32, #tpu.memory_space<vmem_shared>> -> memref<80x128xf32, #tpu.memory_space<vmem_shared>>
        %dma_start3A_108 = arith.constant 0 : i32
        %dma_start3A_109 = arith.constant 0 : i32
        %dma_start3A_110 = tpu.memref_slice %arg10[%dma_start3A_108, %dma_start3A_109] : memref<80x128xf32, #tpu.memory_space<vmem>> -> memref<80x128xf32, #tpu.memory_space<vmem>>
        tpu.enqueue_dma source(%dma_start3A_110 : memref<80x128xf32, #tpu.memory_space<vmem>>) target(%dma_start3A_107 : memref<80x128xf32, #tpu.memory_space<vmem_shared>>) target_semaphore(%run_scoped3A : memref<!tpu.dma_semaphore, #tpu.memory_space<semaphore_mem>>)
        %dma_wait3A = arith.constant 0 : i32
        %dma_wait3A_111 = arith.constant 0 : i32
        %dma_wait3A_112 = tpu.memref_slice %arg10[%dma_wait3A, %dma_wait3A_111] : memref<80x128xf32, #tpu.memory_space<vmem>> -> memref<80x128xf32, #tpu.memory_space<vmem>>
        %dma_wait3A_113 = arith.constant 0 : i32
        %dma_wait3A_114 = tpu.memref_slice %arg11[%add3A_101, %dma_wait3A_113] : memref<10000x128xf32, #tpu.memory_space<vmem_shared>> -> memref<80x128xf32, #tpu.memory_space<vmem_shared>>
        %dma_wait3A_115 = arith.constant 0 : i32
        %dma_wait3A_116 = tpu.memref_slice %arg11[%add3A_101, %dma_wait3A_115] : memref<10000x128xf32, #tpu.memory_space<vmem_shared>> -> memref<80x128xf32, #tpu.memory_space<vmem_shared>>
        %dma_wait3A_117 = arith.constant 0 : i32
        %dma_wait3A_118 = arith.constant 0 : i32
        %dma_wait3A_119 = tpu.memref_slice %arg10[%dma_wait3A_117, %dma_wait3A_118] : memref<80x128xf32, #tpu.memory_space<vmem>> -> memref<80x128xf32, #tpu.memory_space<vmem>>
        tpu.wait_dma2 semaphore(%run_scoped3A : memref<!tpu.dma_semaphore, #tpu.memory_space<semaphore_mem>>) src(%dma_wait3A_119 : memref<80x128xf32, #tpu.memory_space<vmem>>) dst(%dma_wait3A_116 : memref<80x128xf32, #tpu.memory_space<vmem_shared>>)
        tpu.yield
      }) : () -> ()
    }
    %barrier3A = arith.constant 0 : index
    tpu.barrier barrier_id(%barrier3A)
    %mul3A_45 = arith.constant 10000 : i32
    %mul3A_46 = arith.muli %add3A, %mul3A_45 : i32
    %scan3A_47 = arith.constant 0 : i32
    %scan3A_48 = arith.constant 125 : i32
    %scan3A_49 = arith.addi %scan3A_47, %scan3A_48 : i32
    %scan3A_50 = arith.constant 1 : i32
    scf.for %scan3A_96 = %scan3A_47 to %scan3A_49 step %scan3A_50  : i32 {
      %mul3A_97 = arith.constant 1 : i32
      %mul3A_98 = arith.muli %scan3A_96, %mul3A_97 : i32
      %add3A_99 = arith.constant 0 : i32
      %add3A_100 = arith.addi %add3A_99, %mul3A_98 : i32
      %mul3A_101 = arith.constant 80 : i32
      %mul3A_102 = arith.muli %add3A_100, %mul3A_101 : i32
      %add3A_103 = arith.addi %mul3A_46, %mul3A_102 : i32
      "tpu.region"() ({
        %run_scoped3A = tpu.sem_alloc : memref<!tpu.dma_semaphore, #tpu.memory_space<semaphore_mem>>
        %dma_start3A = tpu.memref_slice %arg3[%add3A_103] : memref<320000xi32, #tpu.memory_space<hbm>> -> memref<80xi32, #tpu.memory_space<hbm>>
        %dma_start3A_109 = tpu.memref_slice %arg3[%add3A_103] : memref<320000xi32, #tpu.memory_space<hbm>> -> memref<80xi32, #tpu.memory_space<hbm>>
        tpu.enqueue_dma source(%dma_start3A_109 : memref<80xi32, #tpu.memory_space<hbm>>) target(%arg7 : memref<80xi32, #tpu.memory_space<vmem>>) target_semaphore(%run_scoped3A : memref<!tpu.dma_semaphore, #tpu.memory_space<semaphore_mem>>)
        %dma_wait3A = tpu.memref_slice %arg3[%add3A_103] : memref<320000xi32, #tpu.memory_space<hbm>> -> memref<80xi32, #tpu.memory_space<hbm>>
        %dma_wait3A_110 = tpu.memref_slice %arg3[%add3A_103] : memref<320000xi32, #tpu.memory_space<hbm>> -> memref<80xi32, #tpu.memory_space<hbm>>
        tpu.wait_dma2 semaphore(%run_scoped3A : memref<!tpu.dma_semaphore, #tpu.memory_space<semaphore_mem>>) src(%dma_wait3A_110 : memref<80xi32, #tpu.memory_space<hbm>>) dst(%arg7 : memref<80xi32, #tpu.memory_space<vmem>>)
        tpu.yield
      }) : () -> ()
      "tpu.region"() ({
        %run_scoped3A = tpu.sem_alloc : memref<!tpu.dma_semaphore, #tpu.memory_space<semaphore_mem>>
        %dma_start3A = tpu.memref_slice %arg4[%add3A_103] : memref<320000xi32, #tpu.memory_space<hbm>> -> memref<80xi32, #tpu.memory_space<hbm>>
        %dma_start3A_109 = tpu.memref_slice %arg4[%add3A_103] : memref<320000xi32, #tpu.memory_space<hbm>> -> memref<80xi32, #tpu.memory_space<hbm>>
        tpu.enqueue_dma source(%dma_start3A_109 : memref<80xi32, #tpu.memory_space<hbm>>) target(%arg8 : memref<80xi32, #tpu.memory_space<vmem>>) target_semaphore(%run_scoped3A : memref<!tpu.dma_semaphore, #tpu.memory_space<semaphore_mem>>)
        %dma_wait3A = tpu.memref_slice %arg4[%add3A_103] : memref<320000xi32, #tpu.memory_space<hbm>> -> memref<80xi32, #tpu.memory_space<hbm>>
        %dma_wait3A_110 = tpu.memref_slice %arg4[%add3A_103] : memref<320000xi32, #tpu.memory_space<hbm>> -> memref<80xi32, #tpu.memory_space<hbm>>
        tpu.wait_dma2 semaphore(%run_scoped3A : memref<!tpu.dma_semaphore, #tpu.memory_space<semaphore_mem>>) src(%dma_wait3A_110 : memref<80xi32, #tpu.memory_space<hbm>>) dst(%arg8 : memref<80xi32, #tpu.memory_space<vmem>>)
        tpu.yield
      }) : () -> ()
      "tpu.region"() ({
        %run_scoped3A = tpu.sem_alloc : memref<!tpu.dma_semaphore, #tpu.memory_space<semaphore_mem>>
        %dma_start3A = tpu.memref_slice %arg5[%add3A_103] : memref<320000xf32, #tpu.memory_space<hbm>> -> memref<80xf32, #tpu.memory_space<hbm>>
        %dma_start3A_109 = tpu.memref_slice %arg5[%add3A_103] : memref<320000xf32, #tpu.memory_space<hbm>> -> memref<80xf32, #tpu.memory_space<hbm>>
        tpu.enqueue_dma source(%dma_start3A_109 : memref<80xf32, #tpu.memory_space<hbm>>) target(%arg9 : memref<80xf32, #tpu.memory_space<vmem>>) target_semaphore(%run_scoped3A : memref<!tpu.dma_semaphore, #tpu.memory_space<semaphore_mem>>)
        %dma_wait3A = tpu.memref_slice %arg5[%add3A_103] : memref<320000xf32, #tpu.memory_space<hbm>> -> memref<80xf32, #tpu.memory_space<hbm>>
        %dma_wait3A_110 = tpu.memref_slice %arg5[%add3A_103] : memref<320000xf32, #tpu.memory_space<hbm>> -> memref<80xf32, #tpu.memory_space<hbm>>
        tpu.wait_dma2 semaphore(%run_scoped3A : memref<!tpu.dma_semaphore, #tpu.memory_space<semaphore_mem>>) src(%dma_wait3A_110 : memref<80xf32, #tpu.memory_space<hbm>>) dst(%arg9 : memref<80xf32, #tpu.memory_space<vmem>>)
        tpu.yield
      }) : () -> ()
      "tpu.region"() ({
        %run_scoped3A = tpu.sem_alloc : memref<!tpu.dma_semaphore, #tpu.memory_space<semaphore_mem>>
        %dma_start3A = arith.constant 0 : i32
        %dma_start3A_109 = arith.constant 0 : i32
        %dma_start3A_110 = tpu.memref_slice %arg2[%dma_start3A, %dma_start3A_109] : memref<10000x128xf32, #tpu.memory_space<hbm>> -> memref<10000x128xf32, #tpu.memory_space<hbm>>
        tpu.enqueue_indirect_dma source(%dma_start3A_110 : memref<10000x128xf32, #tpu.memory_space<hbm>>) target(%arg10 : memref<80x128xf32, #tpu.memory_space<vmem>>) offsets(%arg8 : memref<80xi32, #tpu.memory_space<vmem>>) semaphore(%run_scoped3A : memref<!tpu.dma_semaphore, #tpu.memory_space<semaphore_mem>>)
        %dma_wait3A = arith.constant 0 : i32
        %dma_wait3A_111 = arith.constant 0 : i32
        %dma_wait3A_112 = tpu.memref_slice %arg2[%dma_wait3A, %dma_wait3A_111] : memref<10000x128xf32, #tpu.memory_space<hbm>> -> memref<10000x128xf32, #tpu.memory_space<hbm>>
        tpu.wait_indirect_dma semaphore(%run_scoped3A : memref<!tpu.dma_semaphore, #tpu.memory_space<semaphore_mem>>) src(%dma_wait3A_112 : memref<10000x128xf32, #tpu.memory_space<hbm>>) dst(%arg10 : memref<80x128xf32, #tpu.memory_space<vmem>>)
        tpu.yield
      }) : () -> ()
      %scan3A_104 = arith.constant 0 : i32
      %scan3A_105 = arith.constant 80 : i32
      %scan3A_106 = arith.addi %scan3A_104, %scan3A_105 : i32
      %scan3A_107 = arith.constant 1 : i32
      scf.for %scan3A_109 = %scan3A_104 to %scan3A_106 step %scan3A_107  : i32 {
        %mul3A_110 = arith.constant 1 : i32
        %mul3A_111 = arith.muli %scan3A_109, %mul3A_110 : i32
        %add3A_112 = arith.constant 0 : i32
        %add3A_113 = arith.addi %add3A_112, %mul3A_111 : i32
        %broadcast_in_dim3A_114 = vector.broadcast %add3A_113 : i32 to vector<16xi32>
        %gather3A = tpu.vector_load_idx %arg9[%broadcast_in_dim3A_114] : memref<80xf32, #tpu.memory_space<vmem>>[vector<16xi32>], vector<16xf32>,
        %get3A = arith.index_cast %add3A_113 : i32 to index
        %get3A_115 = arith.constant 0 : index
        %get3A_116 = tpu.vector_load %arg10[%get3A, %get3A_115] {strides = array<i32>} : memref<80x128xf32, #tpu.memory_space<vmem>>, vector<16xf32>,
        %mul3A_117 = arith.mulf %get3A_116, %gather3A : vector<16xf32>
        %swap3A = arith.index_cast %add3A_113 : i32 to index
        %swap3A_118 = arith.constant 0 : index
        %swap3A_119 = tpu.vector_load %arg10[%swap3A, %swap3A_118] {strides = array<i32>} : memref<80x128xf32, #tpu.memory_space<vmem>>, vector<16xf32>,
        tpu.vector_store %arg10[%swap3A, %swap3A_118], %mul3A_117 {strides = array<i32>} : memref<80x128xf32, #tpu.memory_space<vmem>>, vector<16xf32>,
        %get3A_120 = arith.index_cast %add3A_113 : i32 to index
        %get3A_121 = arith.constant 16 : index
        %get3A_122 = tpu.vector_load %arg10[%get3A_120, %get3A_121] {strides = array<i32>} : memref<80x128xf32, #tpu.memory_space<vmem>>, vector<16xf32>,
        %mul3A_123 = arith.mulf %get3A_122, %gather3A : vector<16xf32>
        %swap3A_124 = arith.index_cast %add3A_113 : i32 to index
        %swap3A_125 = arith.constant 16 : index
        %swap3A_126 = tpu.vector_load %arg10[%swap3A_124, %swap3A_125] {strides = array<i32>} : memref<80x128xf32, #tpu.memory_space<vmem>>, vector<16xf32>,
        tpu.vector_store %arg10[%swap3A_124, %swap3A_125], %mul3A_123 {strides = array<i32>} : memref<80x128xf32, #tpu.memory_space<vmem>>, vector<16xf32>,
        %get3A_127 = arith.index_cast %add3A_113 : i32 to index
        %get3A_128 = arith.constant 32 : index
        %get3A_129 = tpu.vector_load %arg10[%get3A_127, %get3A_128] {strides = array<i32>} : memref<80x128xf32, #tpu.memory_space<vmem>>, vector<16xf32>,
        %mul3A_130 = arith.mulf %get3A_129, %gather3A : vector<16xf32>
        %swap3A_131 = arith.index_cast %add3A_113 : i32 to index
        %swap3A_132 = arith.constant 32 : index
        %swap3A_133 = tpu.vector_load %arg10[%swap3A_131, %swap3A_132] {strides = array<i32>} : memref<80x128xf32, #tpu.memory_space<vmem>>, vector<16xf32>,
        tpu.vector_store %arg10[%swap3A_131, %swap3A_132], %mul3A_130 {strides = array<i32>} : memref<80x128xf32, #tpu.memory_space<vmem>>, vector<16xf32>,
        %get3A_134 = arith.index_cast %add3A_113 : i32 to index
        %get3A_135 = arith.constant 48 : index
        %get3A_136 = tpu.vector_load %arg10[%get3A_134, %get3A_135] {strides = array<i32>} : memref<80x128xf32, #tpu.memory_space<vmem>>, vector<16xf32>,
        %mul3A_137 = arith.mulf %get3A_136, %gather3A : vector<16xf32>
        %swap3A_138 = arith.index_cast %add3A_113 : i32 to index
        %swap3A_139 = arith.constant 48 : index
        %swap3A_140 = tpu.vector_load %arg10[%swap3A_138, %swap3A_139] {strides = array<i32>} : memref<80x128xf32, #tpu.memory_space<vmem>>, vector<16xf32>,
        tpu.vector_store %arg10[%swap3A_138, %swap3A_139], %mul3A_137 {strides = array<i32>} : memref<80x128xf32, #tpu.memory_space<vmem>>, vector<16xf32>,
        %get3A_141 = arith.index_cast %add3A_113 : i32 to index
        %get3A_142 = arith.constant 64 : index
        %get3A_143 = tpu.vector_load %arg10[%get3A_141, %get3A_142] {strides = array<i32>} : memref<80x128xf32, #tpu.memory_space<vmem>>, vector<16xf32>,
        %mul3A_144 = arith.mulf %get3A_143, %gather3A : vector<16xf32>
        %swap3A_145 = arith.index_cast %add3A_113 : i32 to index
        %swap3A_146 = arith.constant 64 : index
        %swap3A_147 = tpu.vector_load %arg10[%swap3A_145, %swap3A_146] {strides = array<i32>} : memref<80x128xf32, #tpu.memory_space<vmem>>, vector<16xf32>,
        tpu.vector_store %arg10[%swap3A_145, %swap3A_146], %mul3A_144 {strides = array<i32>} : memref<80x128xf32, #tpu.memory_space<vmem>>, vector<16xf32>,
        %get3A_148 = arith.index_cast %add3A_113 : i32 to index
        %get3A_149 = arith.constant 80 : index
        %get3A_150 = tpu.vector_load %arg10[%get3A_148, %get3A_149] {strides = array<i32>} : memref<80x128xf32, #tpu.memory_space<vmem>>, vector<16xf32>,
        %mul3A_151 = arith.mulf %get3A_150, %gather3A : vector<16xf32>
        %swap3A_152 = arith.index_cast %add3A_113 : i32 to index
        %swap3A_153 = arith.constant 80 : index
        %swap3A_154 = tpu.vector_load %arg10[%swap3A_152, %swap3A_153] {strides = array<i32>} : memref<80x128xf32, #tpu.memory_space<vmem>>, vector<16xf32>,
        tpu.vector_store %arg10[%swap3A_152, %swap3A_153], %mul3A_151 {strides = array<i32>} : memref<80x128xf32, #tpu.memory_space<vmem>>, vector<16xf32>,
        %get3A_155 = arith.index_cast %add3A_113 : i32 to index
        %get3A_156 = arith.constant 96 : index
        %get3A_157 = tpu.vector_load %arg10[%get3A_155, %get3A_156] {strides = array<i32>} : memref<80x128xf32, #tpu.memory_space<vmem>>, vector<16xf32>,
        %mul3A_158 = arith.mulf %get3A_157, %gather3A : vector<16xf32>
        %swap3A_159 = arith.index_cast %add3A_113 : i32 to index
        %swap3A_160 = arith.constant 96 : index
        %swap3A_161 = tpu.vector_load %arg10[%swap3A_159, %swap3A_160] {strides = array<i32>} : memref<80x128xf32, #tpu.memory_space<vmem>>, vector<16xf32>,
        tpu.vector_store %arg10[%swap3A_159, %swap3A_160], %mul3A_158 {strides = array<i32>} : memref<80x128xf32, #tpu.memory_space<vmem>>, vector<16xf32>,
        %get3A_162 = arith.index_cast %add3A_113 : i32 to index
        %get3A_163 = arith.constant 112 : index
        %get3A_164 = tpu.vector_load %arg10[%get3A_162, %get3A_163] {strides = array<i32>} : memref<80x128xf32, #tpu.memory_space<vmem>>, vector<16xf32>,
        %mul3A_165 = arith.mulf %get3A_164, %gather3A : vector<16xf32>
        %swap3A_166 = arith.index_cast %add3A_113 : i32 to index
        %swap3A_167 = arith.constant 112 : index
        %swap3A_168 = tpu.vector_load %arg10[%swap3A_166, %swap3A_167] {strides = array<i32>} : memref<80x128xf32, #tpu.memory_space<vmem>>, vector<16xf32>,
        tpu.vector_store %arg10[%swap3A_166, %swap3A_167], %mul3A_165 {strides = array<i32>} : memref<80x128xf32, #tpu.memory_space<vmem>>, vector<16xf32>,
      }
      %scan3A_108 = arith.constant 80 : i32
      "tpu.region"() ({
        %run_scoped3A = tpu.sem_alloc : memref<!tpu.dma_semaphore, #tpu.memory_space<semaphore_mem>>
        %dma_start3A = arith.constant 0 : i32
        %dma_start3A_109 = arith.constant 0 : i32
        %dma_start3A_110 = tpu.memref_slice %arg11[%dma_start3A, %dma_start3A_109] : memref<10000x128xf32, #tpu.memory_space<vmem_shared>> -> memref<10000x128xf32, #tpu.memory_space<vmem_shared>>
        tpu.enqueue_indirect_dma source(%arg10 : memref<80x128xf32, #tpu.memory_space<vmem>>) target(%dma_start3A_110 : memref<10000x128xf32, #tpu.memory_space<vmem_shared>>) offsets(%arg7 : memref<80xi32, #tpu.memory_space<vmem>>) semaphore(%run_scoped3A : memref<!tpu.dma_semaphore, #tpu.memory_space<semaphore_mem>>) {add = true}
        %dma_wait3A = arith.constant 0 : i32
        %dma_wait3A_111 = arith.constant 0 : i32
        %dma_wait3A_112 = tpu.memref_slice %arg11[%dma_wait3A, %dma_wait3A_111] : memref<10000x128xf32, #tpu.memory_space<vmem_shared>> -> memref<10000x128xf32, #tpu.memory_space<vmem_shared>>
        tpu.wait_indirect_dma semaphore(%run_scoped3A : memref<!tpu.dma_semaphore, #tpu.memory_space<semaphore_mem>>) src(%arg10 : memref<80x128xf32, #tpu.memory_space<vmem>>) dst(%dma_wait3A_112 : memref<10000x128xf32, #tpu.memory_space<vmem_shared>>)
        tpu.yield
      }) : () -> ()
    }
    %scan3A_51 = arith.constant 125 : i32
    %barrier3A_52 = arith.constant 0 : index
    tpu.barrier barrier_id(%barrier3A_52)
    %jit3A_53 = arith.constant 80 : i32
    %div3A_54 = arith.divsi %min3A_9, %jit3A_53 : i32
    %sign3A_55 = arith.constant 0 : i32
    %sign3A_56 = arith.cmpi sgt, %min3A_9, %sign3A_55 : i32
    %sign3A_57 = arith.extui %sign3A_56 : i1 to i32
    %sign3A_58 = arith.constant 0 : i32
    %sign3A_59 = arith.cmpi slt, %min3A_9, %sign3A_58 : i32
    %sign3A_60 = arith.extui %sign3A_59 : i1 to i32
    %sign3A_61 = arith.subi %sign3A_57, %sign3A_60 : i32
    %sign3A_62 = arith.constant 0 : i32
    %sign3A_63 = arith.cmpi sgt, %jit3A_53, %sign3A_62 : i32
    %sign3A_64 = arith.extui %sign3A_63 : i1 to i32
    %sign3A_65 = arith.constant 0 : i32
    %sign3A_66 = arith.cmpi slt, %jit3A_53, %sign3A_65 : i32
    %sign3A_67 = arith.extui %sign3A_66 : i1 to i32
    %sign3A_68 = arith.subi %sign3A_64, %sign3A_67 : i32
    %ne3A_69 = arith.cmpi ne, %sign3A_61, %sign3A_68 : i32
    %rem3A_70 = arith.remsi %min3A_9, %jit3A_53 : i32
    %ne3A_71 = arith.constant 0 : i32
    %ne3A_72 = arith.cmpi ne, %rem3A_70, %ne3A_71 : i32
    %and3A_73 = arith.andi %ne3A_69, %ne3A_72 : i1
    %sub3A_74 = arith.constant 1 : i32
    %sub3A_75 = arith.subi %div3A_54, %sub3A_74 : i32
    %select_n3A_76 = arith.select %and3A_73, %sub3A_75, %div3A_54 : i32
    %sub3A_77 = arith.constant 0 : i32
    %sub3A_78 = arith.subi %select_n3A_76, %sub3A_77 : i32
    %sub3A_79 = arith.constant 1 : i32
    %sub3A_80 = arith.constant 1 : i32
    %sub3A_81 = arith.subi %sub3A_79, %sub3A_80 : i32
    %add3A_82 = arith.addi %sub3A_78, %sub3A_81 : i32
    %div3A_83 = arith.constant 1 : i32
    %div3A_84 = arith.divsi %add3A_82, %div3A_83 : i32
    %while3A_85 = arith.constant 1 : i32
    %while3A_86 = arith.constant 0 : i32
    %while3A_87 = arith.constant 0 : i32
    %while3A_88 = arith.subi %div3A_84, %while3A_87 : i32
    %while3A_89 = arith.addi %while3A_87, %while3A_88 : i32
    %while3A_90 = arith.constant 1 : i32
    %while3A_91 = arith.divsi %while3A_88, %while3A_90 : i32
    %while3A_92 = arith.muli %while3A_91, %while3A_90 : i32
    %while3A_93 = arith.addi %while3A_87, %while3A_92 : i32
    %while3A_94 = arith.constant 1 : i32
    scf.for %while3A_96 = %while3A_87 to %while3A_93 step %while3A_94  : i32 {
      %mul3A_97 = arith.muli %while3A_96, %while3A_85 : i32
      %add3A_98 = arith.addi %while3A_86, %mul3A_97 : i32
      %mul3A_99 = arith.constant 80 : i32
      %mul3A_100 = arith.muli %add3A_98, %mul3A_99 : i32
      %add3A_101 = arith.addi %mul3A_7, %mul3A_100 : i32
      "tpu.region"() ({
        %run_scoped3A = tpu.sem_alloc : memref<!tpu.dma_semaphore, #tpu.memory_space<semaphore_mem>>
        %dma_start3A = arith.constant 0 : i32
        %dma_start3A_102 = tpu.memref_slice %arg11[%add3A_101, %dma_start3A] : memref<10000x128xf32, #tpu.memory_space<vmem_shared>> -> memref<80x128xf32, #tpu.memory_space<vmem_shared>>
        %dma_start3A_103 = arith.constant 0 : i32
        %dma_start3A_104 = tpu.memref_slice %arg11[%add3A_101, %dma_start3A_103] : memref<10000x128xf32, #tpu.memory_space<vmem_shared>> -> memref<80x128xf32, #tpu.memory_space<vmem_shared>>
        tpu.enqueue_dma source(%dma_start3A_104 : memref<80x128xf32, #tpu.memory_space<vmem_shared>>) target(%arg10 : memref<80x128xf32, #tpu.memory_space<vmem>>) target_semaphore(%run_scoped3A : memref<!tpu.dma_semaphore, #tpu.memory_space<semaphore_mem>>)
        %dma_wait3A = arith.constant 0 : i32
        %dma_wait3A_105 = tpu.memref_slice %arg11[%add3A_101, %dma_wait3A] : memref<10000x128xf32, #tpu.memory_space<vmem_shared>> -> memref<80x128xf32, #tpu.memory_space<vmem_shared>>
        %dma_wait3A_106 = arith.constant 0 : i32
        %dma_wait3A_107 = tpu.memref_slice %arg11[%add3A_101, %dma_wait3A_106] : memref<10000x128xf32, #tpu.memory_space<vmem_shared>> -> memref<80x128xf32, #tpu.memory_space<vmem_shared>>
        tpu.wait_dma2 semaphore(%run_scoped3A : memref<!tpu.dma_semaphore, #tpu.memory_space<semaphore_mem>>) src(%dma_wait3A_107 : memref<80x128xf32, #tpu.memory_space<vmem_shared>>) dst(%arg10 : memref<80x128xf32, #tpu.memory_space<vmem>>)
        tpu.yield
      }) : () -> ()
      "tpu.region"() ({
        %run_scoped3A = tpu.sem_alloc : memref<!tpu.dma_semaphore, #tpu.memory_space<semaphore_mem>>
        %dma_start3A = arith.constant 0 : i32
        %dma_start3A_102 = tpu.memref_slice %arg6[%arg0, %add3A_101, %dma_start3A] : memref<2x10000x128xf32, #tpu.memory_space<hbm>> -> memref<1x80x128xf32, #tpu.memory_space<hbm>>
        %dma_start3A_103 = tpu.memref_squeeze %dma_start3A_102 : memref<1x80x128xf32, #tpu.memory_space<hbm>> -> memref<80x128xf32, #tpu.memory_space<hbm>>
        %dma_start3A_104 = arith.constant 0 : i32
        %dma_start3A_105 = tpu.memref_slice %arg6[%arg0, %add3A_101, %dma_start3A_104] : memref<2x10000x128xf32, #tpu.memory_space<hbm>> -> memref<1x80x128xf32, #tpu.memory_space<hbm>>
        %dma_start3A_106 = tpu.memref_squeeze %dma_start3A_105 : memref<1x80x128xf32, #tpu.memory_space<hbm>> -> memref<80x128xf32, #tpu.memory_space<hbm>>
        tpu.enqueue_dma source(%arg10 : memref<80x128xf32, #tpu.memory_space<vmem>>) target(%dma_start3A_106 : memref<80x128xf32, #tpu.memory_space<hbm>>) target_semaphore(%run_scoped3A : memref<!tpu.dma_semaphore, #tpu.memory_space<semaphore_mem>>)
        %dma_wait3A = arith.constant 0 : i32
        %dma_wait3A_107 = tpu.memref_slice %arg6[%arg0, %add3A_101, %dma_wait3A] : memref<2x10000x128xf32, #tpu.memory_space<hbm>> -> memref<1x80x128xf32, #tpu.memory_space<hbm>>
        %dma_wait3A_108 = tpu.memref_squeeze %dma_wait3A_107 : memref<1x80x128xf32, #tpu.memory_space<hbm>> -> memref<80x128xf32, #tpu.memory_space<hbm>>
        %dma_wait3A_109 = arith.constant 0 : i32
        %dma_wait3A_110 = tpu.memref_slice %arg6[%arg0, %add3A_101, %dma_wait3A_109] : memref<2x10000x128xf32, #tpu.memory_space<hbm>> -> memref<1x80x128xf32, #tpu.memory_space<hbm>>
        %dma_wait3A_111 = tpu.memref_squeeze %dma_wait3A_110 : memref<1x80x128xf32, #tpu.memory_space<hbm>> -> memref<80x128xf32, #tpu.memory_space<hbm>>
        tpu.wait_dma2 semaphore(%run_scoped3A : memref<!tpu.dma_semaphore, #tpu.memory_space<semaphore_mem>>) src(%arg10 : memref<80x128xf32, #tpu.memory_space<vmem>>) dst(%dma_wait3A_111 : memref<80x128xf32, #tpu.memory_space<hbm>>)
        tpu.yield
      }) : () -> ()
    }
    %while3A_95 = arith.constant 1 : i32
    scf.for %while3A_96 = %while3A_93 to %while3A_89 step %while3A_95  : i32 {
      %mul3A_97 = arith.muli %while3A_96, %while3A_85 : i32
      %add3A_98 = arith.addi %while3A_86, %mul3A_97 : i32
      %mul3A_99 = arith.constant 80 : i32
      %mul3A_100 = arith.muli %add3A_98, %mul3A_99 : i32
      %add3A_101 = arith.addi %mul3A_7, %mul3A_100 : i32
      "tpu.region"() ({
        %run_scoped3A = tpu.sem_alloc : memref<!tpu.dma_semaphore, #tpu.memory_space<semaphore_mem>>
        %dma_start3A = arith.constant 0 : i32
        %dma_start3A_102 = tpu.memref_slice %arg11[%add3A_101, %dma_start3A] : memref<10000x128xf32, #tpu.memory_space<vmem_shared>> -> memref<80x128xf32, #tpu.memory_space<vmem_shared>>
        %dma_start3A_103 = arith.constant 0 : i32
        %dma_start3A_104 = tpu.memref_slice %arg11[%add3A_101, %dma_start3A_103] : memref<10000x128xf32, #tpu.memory_space<vmem_shared>> -> memref<80x128xf32, #tpu.memory_space<vmem_shared>>
        tpu.enqueue_dma source(%dma_start3A_104 : memref<80x128xf32, #tpu.memory_space<vmem_shared>>) target(%arg10 : memref<80x128xf32, #tpu.memory_space<vmem>>) target_semaphore(%run_scoped3A : memref<!tpu.dma_semaphore, #tpu.memory_space<semaphore_mem>>)
        %dma_wait3A = arith.constant 0 : i32
        %dma_wait3A_105 = tpu.memref_slice %arg11[%add3A_101, %dma_wait3A] : memref<10000x128xf32, #tpu.memory_space<vmem_shared>> -> memref<80x128xf32, #tpu.memory_space<vmem_shared>>
        %dma_wait3A_106 = arith.constant 0 : i32
        %dma_wait3A_107 = tpu.memref_slice %arg11[%add3A_101, %dma_wait3A_106] : memref<10000x128xf32, #tpu.memory_space<vmem_shared>> -> memref<80x128xf32, #tpu.memory_space<vmem_shared>>
        tpu.wait_dma2 semaphore(%run_scoped3A : memref<!tpu.dma_semaphore, #tpu.memory_space<semaphore_mem>>) src(%dma_wait3A_107 : memref<80x128xf32, #tpu.memory_space<vmem_shared>>) dst(%arg10 : memref<80x128xf32, #tpu.memory_space<vmem>>)
        tpu.yield
      }) : () -> ()
      "tpu.region"() ({
        %run_scoped3A = tpu.sem_alloc : memref<!tpu.dma_semaphore, #tpu.memory_space<semaphore_mem>>
        %dma_start3A = arith.constant 0 : i32
        %dma_start3A_102 = tpu.memref_slice %arg6[%arg0, %add3A_101, %dma_start3A] : memref<2x10000x128xf32, #tpu.memory_space<hbm>> -> memref<1x80x128xf32, #tpu.memory_space<hbm>>
        %dma_start3A_103 = tpu.memref_squeeze %dma_start3A_102 : memref<1x80x128xf32, #tpu.memory_space<hbm>> -> memref<80x128xf32, #tpu.memory_space<hbm>>
        %dma_start3A_104 = arith.constant 0 : i32
        %dma_start3A_105 = tpu.memref_slice %arg6[%arg0, %add3A_101, %dma_start3A_104] : memref<2x10000x128xf32, #tpu.memory_space<hbm>> -> memref<1x80x128xf32, #tpu.memory_space<hbm>>
        %dma_start3A_106 = tpu.memref_squeeze %dma_start3A_105 : memref<1x80x128xf32, #tpu.memory_space<hbm>> -> memref<80x128xf32, #tpu.memory_space<hbm>>
        tpu.enqueue_dma source(%arg10 : memref<80x128xf32, #tpu.memory_space<vmem>>) target(%dma_start3A_106 : memref<80x128xf32, #tpu.memory_space<hbm>>) target_semaphore(%run_scoped3A : memref<!tpu.dma_semaphore, #tpu.memory_space<semaphore_mem>>)
        %dma_wait3A = arith.constant 0 : i32
        %dma_wait3A_107 = tpu.memref_slice %arg6[%arg0, %add3A_101, %dma_wait3A] : memref<2x10000x128xf32, #tpu.memory_space<hbm>> -> memref<1x80x128xf32, #tpu.memory_space<hbm>>
        %dma_wait3A_108 = tpu.memref_squeeze %dma_wait3A_107 : memref<1x80x128xf32, #tpu.memory_space<hbm>> -> memref<80x128xf32, #tpu.memory_space<hbm>>
        %dma_wait3A_109 = arith.constant 0 : i32
        %dma_wait3A_110 = tpu.memref_slice %arg6[%arg0, %add3A_101, %dma_wait3A_109] : memref<2x10000x128xf32, #tpu.memory_space<hbm>> -> memref<1x80x128xf32, #tpu.memory_space<hbm>>
        %dma_wait3A_111 = tpu.memref_squeeze %dma_wait3A_110 : memref<1x80x128xf32, #tpu.memory_space<hbm>> -> memref<80x128xf32, #tpu.memory_space<hbm>>
        tpu.wait_dma2 semaphore(%run_scoped3A : memref<!tpu.dma_semaphore, #tpu.memory_space<semaphore_mem>>) src(%arg10 : memref<80x128xf32, #tpu.memory_space<vmem>>) dst(%dma_wait3A_111 : memref<80x128xf32, #tpu.memory_space<hbm>>)
        tpu.yield
      }) : () -> ()
    }
    return
  }
}

module attributes {stable_mosaic.version = 14 : i64} {
  func.func @body(%arg0: i32, %arg1: memref<1000x128xf32, #tpu.memory_space<vmem>>, %arg2: memref<1000x128xf32, #tpu.memory_space<vmem>>, %arg3: memref<1000x128xf32, #tpu.memory_space<vmem>>, %arg4: memref<1000x128xf32, #tpu.memory_space<vmem>>) attributes {dimension_semantics = [#tpu.dimension_semantics<arbitrary>], iteration_bounds = array<i64: 10>, scalar_prefetch = 0 : i64, scratch_operands = 0 : i64, tpu.core_type = #tpu.core_type<tc>, window_params = [{transform_indices = @transform_0, window_bounds = array<i64: 1000, 128>}, {transform_indices = @transform_1, window_bounds = array<i64: 1000, 128>}, {transform_indices = @transform_2, window_bounds = array<i64: 1000, 128>}, {transform_indices = @transform_3, window_bounds = array<i64: 1000, 128>}]} {
    %get3A = arith.constant 0 : index
    %get3A_0 = arith.constant 0 : index
    %get3A_1 = vector.load %arg1[%get3A, %get3A_0] : memref<1000x128xf32, #tpu.memory_space<vmem>>, vector<1000x128xf32>
    %get3A_2 = arith.constant 0 : index
    %get3A_3 = arith.constant 0 : index
    %get3A_4 = vector.load %arg2[%get3A_2, %get3A_3] : memref<1000x128xf32, #tpu.memory_space<vmem>>, vector<1000x128xf32>
    %add3A = arith.addf %get3A_1, %get3A_4 : vector<1000x128xf32>
    %mul3A = arith.constant 2.000000e+00 : f32
    %mul3A_5 = vector.broadcast %mul3A : f32 to vector<1000x128xf32>
    %mul3A_6 = arith.mulf %mul3A_5, %add3A : vector<1000x128xf32>
    %get3A_7 = arith.constant 0 : index
    %get3A_8 = arith.constant 0 : index
    %get3A_9 = vector.load %arg3[%get3A_7, %get3A_8] : memref<1000x128xf32, #tpu.memory_space<vmem>>, vector<1000x128xf32>
    %mul3A_10 = arith.constant -1.000000e+00 : f32
    %mul3A_11 = vector.broadcast %mul3A_10 : f32 to vector<1000x128xf32>
    %mul3A_12 = arith.mulf %mul3A_11, %get3A_9 : vector<1000x128xf32>
    %add3A_13 = arith.addf %mul3A_6, %mul3A_12 : vector<1000x128xf32>
    %swap3A = arith.constant 0 : index
    %swap3A_14 = arith.constant 0 : index
    %swap3A_15 = vector.load %arg4[%swap3A, %swap3A_14] : memref<1000x128xf32, #tpu.memory_space<vmem>>, vector<1000x128xf32>
    tpu.vector_store %arg4[%swap3A, %swap3A_14], %add3A_13 {strides = array<i32>} : memref<1000x128xf32, #tpu.memory_space<vmem>>, vector<1000x128xf32>,
    return
  }
  func.func @transform_0(%arg0: i32) -> (i32, i32) {
    %c0_i32 = arith.constant 0 : i32
    %c0_i32_0 = arith.constant 0 : i32
    return %arg0, %c0_i32 : i32, i32
  }
  func.func @transform_1(%arg0: i32) -> (i32, i32) {
    %c0_i32 = arith.constant 0 : i32
    %c0_i32_0 = arith.constant 0 : i32
    return %arg0, %c0_i32 : i32, i32
  }
  func.func @transform_2(%arg0: i32) -> (i32, i32) {
    %c0_i32 = arith.constant 0 : i32
    %c0_i32_0 = arith.constant 0 : i32
    return %arg0, %c0_i32 : i32, i32
  }
  func.func @transform_3(%arg0: i32) -> (i32, i32) {
    %c0_i32 = arith.constant 0 : i32
    %c0_i32_0 = arith.constant 0 : i32
    return %arg0, %c0_i32 : i32, i32
  }
}

module attributes {stable_mosaic.version = 14 : i64} {
  func.func @body(%arg0: i32, %arg1: memref<1000x128xf32, #tpu.memory_space<vmem>>, %arg2: memref<1000x128xf32, #tpu.memory_space<vmem>>, %arg3: memref<1000x128xf32, #tpu.memory_space<vmem>>, %arg4: memref<1000x128xf32, #tpu.memory_space<vmem>>) attributes {dimension_semantics = [#tpu.dimension_semantics<arbitrary>], iteration_bounds = array<i64: 10>, scalar_prefetch = 0 : i64, scratch_operands = 0 : i64, tpu.core_type = #tpu.core_type<tc>, window_params = [{transform_indices = @transform_0, window_bounds = array<i64: 1000, 128>}, {transform_indices = @transform_1, window_bounds = array<i64: 1000, 128>}, {transform_indices = @transform_2, window_bounds = array<i64: 1000, 128>}, {transform_indices = @transform_3, window_bounds = array<i64: 1000, 128>}]} {
    %get3A = arith.constant 0 : index
    %get3A_0 = arith.constant 0 : index
    %get3A_1 = vector.load %arg1[%get3A, %get3A_0] : memref<1000x128xf32, #tpu.memory_space<vmem>>, vector<1000x128xf32>
    %get3A_2 = arith.constant 0 : index
    %get3A_3 = arith.constant 0 : index
    %get3A_4 = vector.load %arg2[%get3A_2, %get3A_3] : memref<1000x128xf32, #tpu.memory_space<vmem>>, vector<1000x128xf32>
    %add3A = arith.addf %get3A_1, %get3A_4 : vector<1000x128xf32>
    %mul3A = arith.constant 1.000000e+00 : f32
    %mul3A_5 = vector.broadcast %mul3A : f32 to vector<1000x128xf32>
    %mul3A_6 = arith.mulf %mul3A_5, %add3A : vector<1000x128xf32>
    %get3A_7 = arith.constant 0 : index
    %get3A_8 = arith.constant 0 : index
    %get3A_9 = vector.load %arg3[%get3A_7, %get3A_8] : memref<1000x128xf32, #tpu.memory_space<vmem>>, vector<1000x128xf32>
    %mul3A_10 = arith.constant 0.000000e+00 : f32
    %mul3A_11 = vector.broadcast %mul3A_10 : f32 to vector<1000x128xf32>
    %mul3A_12 = arith.mulf %mul3A_11, %get3A_9 : vector<1000x128xf32>
    %add3A_13 = arith.addf %mul3A_6, %mul3A_12 : vector<1000x128xf32>
    %swap3A = arith.constant 0 : index
    %swap3A_14 = arith.constant 0 : index
    %swap3A_15 = vector.load %arg4[%swap3A, %swap3A_14] : memref<1000x128xf32, #tpu.memory_space<vmem>>, vector<1000x128xf32>
    tpu.vector_store %arg4[%swap3A, %swap3A_14], %add3A_13 {strides = array<i32>} : memref<1000x128xf32, #tpu.memory_space<vmem>>, vector<1000x128xf32>,
    return
  }
  func.func @transform_0(%arg0: i32) -> (i32, i32) {
    %c0_i32 = arith.constant 0 : i32
    %c0_i32_0 = arith.constant 0 : i32
    return %arg0, %c0_i32 : i32, i32
  }
  func.func @transform_1(%arg0: i32) -> (i32, i32) {
    %c0_i32 = arith.constant 0 : i32
    %c0_i32_0 = arith.constant 0 : i32
    return %arg0, %c0_i32 : i32, i32
  }
  func.func @transform_2(%arg0: i32) -> (i32, i32) {
    %c0_i32 = arith.constant 0 : i32
    %c0_i32_0 = arith.constant 0 : i32
    return %arg0, %c0_i32 : i32, i32
  }
  func.func @transform_3(%arg0: i32) -> (i32, i32) {
    %c0_i32 = arith.constant 0 : i32
    %c0_i32_0 = arith.constant 0 : i32
    return %arg0, %c0_i32 : i32, i32
  }
}

module attributes {stable_mosaic.version = 14 : i64} {
  func.func @body(%arg0: i32, %arg1: memref<1000x128xf32, #tpu.memory_space<vmem>>, %arg2: memref<1000x128xf32, #tpu.memory_space<vmem>>, %arg3: memref<1000x128xf32, #tpu.memory_space<vmem>>, %arg4: memref<1000x128xf32, #tpu.memory_space<vmem>>, %arg5: memref<4x128x128xf32, #tpu.memory_space<vmem>>, %arg6: memref<1000x128xf32, #tpu.memory_space<vmem>>) attributes {dimension_semantics = [#tpu.dimension_semantics<arbitrary>], iteration_bounds = array<i64: 10>, scalar_prefetch = 0 : i64, scratch_operands = 0 : i64, tpu.core_type = #tpu.core_type<tc>, window_params = [{transform_indices = @transform_0, window_bounds = array<i64: 1000, 128>}, {transform_indices = @transform_1, window_bounds = array<i64: 1000, 128>}, {transform_indices = @transform_2, window_bounds = array<i64: 1000, 128>}, {transform_indices = @transform_3, window_bounds = array<i64: 1000, 128>}, {pipeline_mode = #tpu.pipeline_mode<synchronous>, transform_indices = @transform_4, window_bounds = array<i64: 4, 128, 128>}, {transform_indices = @transform_5, window_bounds = array<i64: 1000, 128>}]} {
    %broadcast_in_dim3A = arith.constant 0.000000e+00 : f32
    %broadcast_in_dim3A_0 = vector.broadcast %broadcast_in_dim3A : f32 to vector<1000x128xf32>
    %get3A = arith.constant 0 : index
    %get3A_1 = arith.constant 0 : index
    %get3A_2 = vector.load %arg1[%get3A, %get3A_1] : memref<1000x128xf32, #tpu.memory_space<vmem>>, vector<1000x128xf32>
    %get3A_3 = arith.constant 0 : index
    %get3A_4 = arith.constant 0 : index
    %get3A_5 = arith.constant 0 : index
    %get3A_6 = vector.load %arg5[%get3A_3, %get3A_4, %get3A_5] : memref<4x128x128xf32, #tpu.memory_space<vmem>>, vector<1x128x128xf32>
    %get3A_7 = vector.shape_cast %get3A_6 : vector<1x128x128xf32> to vector<128x128xf32>
    %dot_general3A = arith.constant dense<0.000000e+00> : vector<1000x128xf32>
    %dot_general3A_8 = tpu.matmul %get3A_2, %get3A_7, %dot_general3A {dimension_numbers = #tpu.dot_dimension_numbers<[1], [0], [0], [1], [0, 0, 1, 1], [], []>, transpose_lhs_hint = false} : vector<1000x128xf32>, vector<128x128xf32>, vector<1000x128xf32> -> vector<1000x128xf32>
    %add3A = arith.addf %broadcast_in_dim3A_0, %dot_general3A_8 : vector<1000x128xf32>
    %get3A_9 = arith.constant 0 : index
    %get3A_10 = arith.constant 0 : index
    %get3A_11 = vector.load %arg2[%get3A_9, %get3A_10] : memref<1000x128xf32, #tpu.memory_space<vmem>>, vector<1000x128xf32>
    %get3A_12 = arith.constant 1 : index
    %get3A_13 = arith.constant 0 : index
    %get3A_14 = arith.constant 0 : index
    %get3A_15 = vector.load %arg5[%get3A_12, %get3A_13, %get3A_14] : memref<4x128x128xf32, #tpu.memory_space<vmem>>, vector<1x128x128xf32>
    %get3A_16 = vector.shape_cast %get3A_15 : vector<1x128x128xf32> to vector<128x128xf32>
    %dot_general3A_17 = arith.constant dense<0.000000e+00> : vector<1000x128xf32>
    %dot_general3A_18 = tpu.matmul %get3A_11, %get3A_16, %dot_general3A_17 {dimension_numbers = #tpu.dot_dimension_numbers<[1], [0], [0], [1], [0, 0, 1, 1], [], []>, transpose_lhs_hint = false} : vector<1000x128xf32>, vector<128x128xf32>, vector<1000x128xf32> -> vector<1000x128xf32>
    %add3A_19 = arith.addf %add3A, %dot_general3A_18 : vector<1000x128xf32>
    %get3A_20 = arith.constant 0 : index
    %get3A_21 = arith.constant 0 : index
    %get3A_22 = vector.load %arg3[%get3A_20, %get3A_21] : memref<1000x128xf32, #tpu.memory_space<vmem>>, vector<1000x128xf32>
    %get3A_23 = arith.constant 2 : index
    %get3A_24 = arith.constant 0 : index
    %get3A_25 = arith.constant 0 : index
    %get3A_26 = vector.load %arg5[%get3A_23, %get3A_24, %get3A_25] : memref<4x128x128xf32, #tpu.memory_space<vmem>>, vector<1x128x128xf32>
    %get3A_27 = vector.shape_cast %get3A_26 : vector<1x128x128xf32> to vector<128x128xf32>
    %dot_general3A_28 = arith.constant dense<0.000000e+00> : vector<1000x128xf32>
    %dot_general3A_29 = tpu.matmul %get3A_22, %get3A_27, %dot_general3A_28 {dimension_numbers = #tpu.dot_dimension_numbers<[1], [0], [0], [1], [0, 0, 1, 1], [], []>, transpose_lhs_hint = false} : vector<1000x128xf32>, vector<128x128xf32>, vector<1000x128xf32> -> vector<1000x128xf32>
    %add3A_30 = arith.addf %add3A_19, %dot_general3A_29 : vector<1000x128xf32>
    %get3A_31 = arith.constant 0 : index
    %get3A_32 = arith.constant 0 : index
    %get3A_33 = vector.load %arg4[%get3A_31, %get3A_32] : memref<1000x128xf32, #tpu.memory_space<vmem>>, vector<1000x128xf32>
    %get3A_34 = arith.constant 3 : index
    %get3A_35 = arith.constant 0 : index
    %get3A_36 = arith.constant 0 : index
    %get3A_37 = vector.load %arg5[%get3A_34, %get3A_35, %get3A_36] : memref<4x128x128xf32, #tpu.memory_space<vmem>>, vector<1x128x128xf32>
    %get3A_38 = vector.shape_cast %get3A_37 : vector<1x128x128xf32> to vector<128x128xf32>
    %dot_general3A_39 = arith.constant dense<0.000000e+00> : vector<1000x128xf32>
    %dot_general3A_40 = tpu.matmul %get3A_33, %get3A_38, %dot_general3A_39 {dimension_numbers = #tpu.dot_dimension_numbers<[1], [0], [0], [1], [0, 0, 1, 1], [], []>, transpose_lhs_hint = false} : vector<1000x128xf32>, vector<128x128xf32>, vector<1000x128xf32> -> vector<1000x128xf32>
    %add3A_41 = arith.addf %add3A_30, %dot_general3A_40 : vector<1000x128xf32>
    %swap3A = arith.constant 0 : index
    %swap3A_42 = arith.constant 0 : index
    %swap3A_43 = vector.load %arg6[%swap3A, %swap3A_42] : memref<1000x128xf32, #tpu.memory_space<vmem>>, vector<1000x128xf32>
    tpu.vector_store %arg6[%swap3A, %swap3A_42], %add3A_41 {strides = array<i32>} : memref<1000x128xf32, #tpu.memory_space<vmem>>, vector<1000x128xf32>,
    return
  }
  func.func @transform_0(%arg0: i32) -> (i32, i32) {
    %c0_i32 = arith.constant 0 : i32
    %c0_i32_0 = arith.constant 0 : i32
    return %arg0, %c0_i32 : i32, i32
  }
  func.func @transform_1(%arg0: i32) -> (i32, i32) {
    %c0_i32 = arith.constant 0 : i32
    %c0_i32_0 = arith.constant 0 : i32
    return %arg0, %c0_i32 : i32, i32
  }
  func.func @transform_2(%arg0: i32) -> (i32, i32) {
    %c0_i32 = arith.constant 0 : i32
    %c0_i32_0 = arith.constant 0 : i32
    return %arg0, %c0_i32 : i32, i32
  }
  func.func @transform_3(%arg0: i32) -> (i32, i32) {
    %c0_i32 = arith.constant 0 : i32
    %c0_i32_0 = arith.constant 0 : i32
    return %arg0, %c0_i32 : i32, i32
  }
  func.func @transform_4(%arg0: i32) -> (i32, i32, i32) {
    %c0_i32 = arith.constant 0 : i32
    %c0_i32_0 = arith.constant 0 : i32
    %c0_i32_1 = arith.constant 0 : i32
    %c0_i32_2 = arith.constant 0 : i32
    return %c0_i32, %c0_i32_0, %c0_i32_1 : i32, i32, i32
  }
  func.func @transform_5(%arg0: i32) -> (i32, i32) {
    %c0_i32 = arith.constant 0 : i32
    %c0_i32_0 = arith.constant 0 : i32
    return %arg0, %c0_i32 : i32, i32
  }
}

</mosaic_0001>

<sc_bundles>
// kernel: kernel.10.cloned.1.call-start
scs
__scs_entry_jumppad:
0x0: {  	(pc) =	sbr.rel $0x88, $3  }
0x1: {  	(tag) =	ssettag $0x0;
	lr =	simm.s32 $0x1  }
0x2: {  	[smem:$0x3F9C] =	sst lr;
	_ =	strace $0xD0000000  }
0x3: {  	_ = 	snop  }
0x4: {  	_ = 	snop  }
0x5: {  	_ = 	snop  }
0x6: {  	_ = 	snop  }
0x7: {  	_ = 	snop  }
__scs_overlays_trampoline_lowered:
0x8: {  	[smem:$0x3FAB] =	sst s0  }
0x9: {  	[smem:$0x3FAC] =	sst s1  }
0xa: {  	[smem:$0x3FAD] =	sst s2  }
0xb: {  	[smem:$0x3FAE] =	sst s3  }
0xc: {  	[smem:$0x3FAF] =	sst s4  }
0xd: {  	[smem:$0x3FB0] =	sst s5  }
0xe: {  	[smem:$0x3FB1] =	sst s6  }
0xf: {  	[smem:$0x3FB2] =	sst s7  }
0x10: {  	[smem:$0x3FB3] =	sst s8  }
0x11: {  	[smem:$0x3FB4] =	sst s9;
	s0 =	simm.s32 @!p0 $0x0  }
0x12: {  	s1 =	sld [smem:$0x3F9A];
	s0 =	simm.s32 @p0 $0x1  }
0x13: {  	[smem:$0x3FB5] =	sst s0;
	s0 =	simm.s32 @!p1 $0x0  }
0x14: {  	s2 =	sld [smem:$0x3F99];
	s0 =	simm.s32 @p1 $0x1  }
0x15: {  	[smem:$0x3FB6] =	sst s0;
	s0 =	simm.s32 @!p2 $0x0  }
0x16: {  	s3 =	sld [smem:$0x3FDB];
	s0 =	simm.s32 @p2 $0x1  }
0x17: {  	s4 =	simm.s32 $0x1BF5;
	[smem:$0x3FB8] =	sst s0  }
0x18: {  	s0 =	sld [smem:$0x3F9B];
	_ =	swait.ge [sflag:s4], $0x0  }
0x19: {  	s7 =	sld [smem:$0x3F9C]  }
0x1a: {  	s8 =	sadd.s32 $0xFFFFE003, lr  }
0x1b: {  	s9 =	sadd.s32 $0xFFFFFEF7, lr;
	s5 =	simm.s32 $0xFFFFFFFF;
	p2 =	slt.u32 s8, $0xFFFFF086  }
0x1c: {  	p1 =	slt.u32 s9, $0xF7A;
	s5 =	simm.s32 @!p2 $0x0  }
0x1d: {  	s5 =	simm.s32 @p1 $0x1;
	p0 =	seq.s32 s7, s2  }
0x1e: {  	s7 =	smul.u32 @!p0 $0xF7A, s2;
	p2 =	seq.s32 @!p0 s5, $0x0  }
0x1f: {  	s9 =	smul.u32 $0xF7A, s1;
	s8 =	simm.s32 @!p0 $0x1BF5;
	p2 =	por !p2, p0  }
0x20: {  	[sflag:s8] =	ssyncset.s32 @!p0 $0xFFFFF086;
	s6 =	sadd.s32 @!p0 s3, s7;
	s7 =	simm.s32 @!p0 $0x108  }
0x21: {  	s3 =	sadd.s32 s3, s9;
	s6 =	sadd.s32 @!p0 $0x88, s6;
	s7 =	simm.s32 @p2 $0x1082  }
0x22: {  	[simem:s7], [sflag:s8] =	dma.local @!p0 [hbm:s6], $0xF7A  }
0x23: {  	s9 =	sor.u32 $0xD0000000, s2;
	s6 =	simm.s32 $0x108;
	_ =	swait.ge @!p0 [sflag:s8], $0x0  }
0x24: {  	s3 =	sadd.s32 $0x88, s3;
	s6 =	simm.s32 @!p1 $0x1082;
	[sflag:s4] =	ssyncset.s32 $0xFFFFF086  }
0x25: {  	[simem:s6], [sflag:s4] =	dma.local [hbm:s3], $0xF7A  }
0x26: {  	[smem:$0x3F9C] =	sst s1;
	(tag) =	ssettag s2;
	_ =	strace s9  }
0x27: {  	s1 =	sld [smem:$0x3FAC]  }
0x28: {  	s2 =	sld [smem:$0x3FAD]  }
0x29: {  	s4 =	sld [smem:$0x3FAF]  }
0x2a: {  	p0 =	seq.s32 s5, $0x0;
	s5 =	sld [smem:$0x3FB0]  }
0x2b: {  	s6 =	sld [smem:$0x3FB1]  }
0x2c: {  	s7 =	sld [smem:$0x3FB2]  }
0x2d: {  	s3 =	simm.s32 $0x108;
	s8 =	sld [smem:$0x3FB3]  }
0x2e: {  	s3 =	simm.s32 @!p0 $0x1082;
	s9 =	sld [smem:$0x3FB4]  }
0x2f: {  	lr =	sadd.s32 s0, s3;
	s0 =	sld [smem:$0x3FAB]  }
0x30: {  	s3 =	sld [smem:$0x3FAE]  }
0x31: {  	[smem:$0x3FB7] =	sst s10  }
0x32: {  	s10 =	sld [smem:$0x3FB5];
	_ =	sdelay $0x3  }
0x33: {  	p0 =	seq.s32 s10, $0x1;
	s10 =	sld [smem:$0x3FB7];
	_ =	sdelay $0x3  }
0x34: {  	[smem:$0x3FB7] =	sst s10  }
0x35: {  	s10 =	sld [smem:$0x3FB6];
	_ =	sdelay $0x3  }
0x36: {  	p1 =	seq.s32 s10, $0x1;
	s10 =	sld [smem:$0x3FB7];
	_ =	sdelay $0x3  }
0x37: {  	[smem:$0x3FB7] =	sst s10  }
0x38: {  	s10 =	sld [smem:$0x3FB8]  }
0x39: {  	_ = 	snop;
	(pc) =	sbr.ind lr, $3  }
0x3a: {  	_ = 	snop  }
0x3b: {  	_ = 	snop  }
0x3c: {  	p2 =	seq.s32 s10, $0x1;
	s10 =	sld [smem:$0x3FB7]  }
0x3d: {  	_ =	shalt  }
0x3e: {  	_ =	shalt  }
0x3f: {  	_ =	shalt  }
0x40: {  	_ =	shalt  }
0x41: {  	_ =	shalt  }
0x42: {  	_ =	shalt  }
0x43: {  	_ =	shalt  }
0x44: {  	_ =	shalt  }
0x45: {  	_ =	shalt  }
0x46: {  	_ =	shalt  }
0x47: {  	_ =	shalt  }
0x48: {  	_ =	shalt  }
0x49: {  	_ =	shalt  }
0x4a: {  	_ =	shalt  }
0x4b: {  	_ =	shalt  }
0x4c: {  	_ =	shalt  }
0x4d: {  	_ =	shalt  }
0x4e: {  	_ =	shalt  }
0x4f: {  	_ =	shalt  }
0x50: {  	_ =	shalt  }
0x51: {  	_ =	shalt  }
0x52: {  	_ =	shalt  }
0x53: {  	_ =	shalt  }
0x54: {  	_ =	shalt  }
0x55: {  	_ =	shalt  }
0x56: {  	_ =	shalt  }
0x57: {  	_ =	shalt  }
0x58: {  	_ =	shalt  }
0x59: {  	_ =	shalt  }
0x5a: {  	_ =	shalt  }
0x5b: {  	_ =	shalt  }
0x5c: {  	_ =	shalt  }
0x5d: {  	_ =	shalt  }
0x5e: {  	_ =	shalt  }
0x5f: {  	_ =	shalt  }
0x60: {  	_ =	shalt  }
0x61: {  	_ =	shalt  }
0x62: {  	_ =	shalt  }
0x63: {  	_ =	shalt  }
0x64: {  	_ =	shalt  }
0x65: {  	_ =	shalt  }
0x66: {  	_ =	shalt  }
0x67: {  	_ =	shalt  }
0x68: {  	_ =	shalt  }
0x69: {  	_ =	shalt  }
0x6a: {  	_ =	shalt  }
0x6b: {  	_ =	shalt  }
0x6c: {  	_ =	shalt  }
0x6d: {  	_ =	shalt  }
0x6e: {  	_ =	shalt  }
0x6f: {  	_ =	shalt  }
0x70: {  	_ =	shalt  }
0x71: {  	_ =	shalt  }
0x72: {  	_ =	shalt  }
0x73: {  	_ =	shalt  }
0x74: {  	_ =	shalt  }
0x75: {  	_ =	shalt  }
0x76: {  	_ =	shalt  }
0x77: {  	_ =	shalt  }
0x78: {  	_ =	shalt  }
0x79: {  	_ =	shalt  }
0x7a: {  	_ =	shalt  }
0x7b: {  	_ =	shalt  }
0x7c: {  	_ =	shalt  }
0x7d: {  	_ =	shalt  }
0x7e: {  	_ =	shalt  }
0x7f: {  	_ =	shalt  }
0x80: {  	_ =	shalt  }
0x81: {  	_ =	shalt  }
0x82: {  	_ =	shalt  }
0x83: {  	_ =	shalt  }
0x84: {  	_ =	shalt  }
0x85: {  	_ =	shalt  }
0x86: {  	_ =	shalt  }
0x87: {  	_ =	shalt  }
.Lfunc_end0:
.L_simem_size_0:
called_computation_lowered:
.L_overlay_start_0:
0x88: {  	s2 =	sld [smem:$0x3FD9]  }
0x89: {  	s3 =	sld [smem:$0x3FFE];
	_ =	sdelay $0x1  }
0x8a: {  	s1 =	srdreg.scid  }
0x8b: {  	s0 =	sand.u32 $0x1, s1  }
0x8c: {  	s17 =	sshll.u32 s0, $0xA;
	s2 =	sadd.s32 s3, s2  }
0x8d: {  	s2 =	sadd.s32 s2, s17  }
0x8e: {  	[smem:$0x3FC3] =	sst s2  }
0x8f: {  	_ = 	snop  }
0x90: {  	s2 =	sld [smem:$0x3FC9]  }
0x91: {  	s18 =	sld [smem:$0x3FC8]  }
0x92: {  	s4 =	sld [smem:$0x3FC7]  }
0x93: {  	s5 =	sld [smem:$0x3FC6];
	(tm) =	ssettm $0x1  }
0x94: {  	s6 =	sld [smem:$0x3FFB];
	_ =	sdelay $0x3  }
0x95: {  	_ =	strace s6  }
0x96: {  	s6 =	sld [smem:$0x3FFC];
	_ =	sdelay $0x3  }
0x97: {  	_ =	strace s6  }
0x98: {  	s6 =	sld [smem:$0x3FFD];
	_ =	sdelay $0x3  }
0x99: {  	_ =	strace s6  }
0x9a: {  	_ =	strace $0x8FFFFFFF  }
0x9b: {  	s19 =	sld [smem:$0x3FDB];
	_ =	sdelay $0x1  }
0x9c: {  	s7 =	simm.s32 $_scs_section_size  }
0x9d: {  	s8 =	simm.s32 $_size__tile_overlayer_lowered;
	s9 =	simm.s32 $_tile_overlayer_lowered  }
0x9e: {  	s22 =	simm.s32 $0x1BFF;
	s21 =	sshll.u32 s9, $0x1;
	s6 =	sadd.s32 s7, s19  }
0x9f: {  	s10 =	simm.s32 $0x0;
	s20 =	sshll.u32 s8, $0x1;
	s8 =	sadd.s32 s21, s6  }
0xa0: {  	[timem:s10], [sflag:s22] =	dma.local [hbm:s8], s20  }
0xa1: {  	_ =	swait.ge [sflag:s22], s20  }
0xa2: {  	s7 =	ssub.s32 $0x0, s20;
	[sflag:s22] =	ssyncset.done $0x0  }
0xa3: {  	[sflag:s22] =	ssyncadd.s32 s7;
	_ =	sdelay $0x1  }
0xa4: {  	s23 =	simm.s32 $0x1B8B  }
0xa5: {  	_ =	swait.ge [sflag:s23], $0x1  }
0xa6: {  	[sflag:s23] =	ssyncset.done $0x0  }
0xa7: {  	s25 =	simm.s32 $0x1B8E;
	s24 =	sld [smem:$0x3FFE];
	[sflag:s23] =	ssyncadd.s32 $0xFFFFFFFF  }
0xa8: {  	s26 =	simm.s32 $execute0_lowered;
	[smem:$0x3FD2] =	sst s25  }
0xa9: {  	s8 =	sshll.u32 s26, $0x1;
	_ =	strace $0x80000046;
	[dreg:$0x1] =	wrdreg $0xFFFFFFFF  }
0xaa: {  	s28 =	simm.s32 $_size_execute0_lowered;
	s6 =	sadd.s32 s6, s8;
	[dreg:$0x0] =	wrdreg $0x0  }
0xab: {  	s8 =	sshll.u32 s28, $0x1;
	[dreg:$0x2] =	wrdreg s6  }
0xac: {  	[dreg:$0x3] =	wrdreg s8  }
0xad: {  	[dreg:$0x4] =	wrdreg $0xC0  }
0xae: {  	_ =	task [dreg:s10], $0x5FFFF  }
0xaf: {  	[dreg:$0x1] =	wrdreg $0xFFFFFFFF  }
0xb0: {  	[dreg:$0x0] =	wrdreg $0x60  }
0xb1: {  	[dreg:$0x2] =	wrdreg s2  }
0xb2: {  	[dreg:$0x3] =	wrdreg s18  }
0xb3: {  	[dreg:$0x4] =	wrdreg s4  }
0xb4: {  	[dreg:$0x5] =	wrdreg s5  }
0xb5: {  	[dreg:$0x6] =	wrdreg s24  }
0xb6: {  	[dreg:$0x7] =	wrdreg $0x29800  }
0xb7: {  	[dreg:$0x8] =	wrdreg $0x9  }
0xb8: {  	_ =	task.clear_ibuf [dreg:s10], $0x9FFFF;
	_ =	strace $0x90000046  }
0xb9: {  	s29 =	simm.s32 $0x9;
	_ =	strace $0x80000048  }
0xba: {  	_ =	swait.ge [sflag:s29], $0x1  }
0xbb: {  	[sflag:s29] =	ssyncadd.s32 $0xFFFFFFFF  }
0xbc: {  	_ =	strace $0x90000048  }
0xbd: {  	_ =	sfence  }
0xbe: {  	s30 =	sld [smem:$0x0];
	_ =	sdelay $0x2  }
0xbf: {  	s31 =	sshll.u32 s1, $0xD;
	s1 =	sshrl.u32 s1, $0x2  }
0xc0: {  	s3 =	sand.u32 $0x4000, s31;
	s1 =	sadd.s32 s1, s30  }
0xc1: {  	s0 =	sor.u32 s3, s0;
	s1 =	sshll.u32 s1, $0x11  }
0xc2: {  	s0 =	sor.u32 s1, s0  }
0xc3: {  	s0 =	sadd.s32 $0x8F2B, s0  }
0xc4: {  	[sflag:s0] =	ssyncadd.remote.s32 $0x1  }
0xc5: {  	_ =	sfence.sel $0xFFFF  }
0xc6: {  	[dreg:$0x0] =	wrdreg $0xFFFFFFFF;
	(pc) =	sbr.abs _section_cstart, $3  }
0xc7: {  	[dreg:$0x1] =	wrdreg $0xFFFFFFFF  }
0xc8: {  	_ =	task.clear_ibuf [dreg:s10], $0x2FFFF;
	_ =	strace $0x9FFFFFFF  }
0xc9: {  	(tm) =	ssettm $0x7FFFFFFF  }
tec
execute0_lowered:
.L_overlay_start_1:
0x0: {  	(tag) =	ssettag $0x1  }
0x1: {  	s0 =	rddreg [dreg:$0x0]  }
0x2: {  	s1 =	rddreg [dreg:$0x1]  }
0x3: {  	s2 =	rddreg [dreg:$0x2]  }
0x4: {  	s4 =	rddreg [dreg:$0x3]  }
0x5: {  	s8 =	rddreg [dreg:$0x4]  }
0x6: {  	s3 =	srdreg.scid;
	s6 =	rddreg [dreg:$0x5]  }
0x7: {  	s5 =	rddreg [dreg:$0x6];
	s7 =	simm.s32 $0x0;
	s9 =	sand.u32 $0x1, s3  }
0x8: {  	s16 =	simm.s32 $0x100;
	s3 =	stileid.u32;
	s10 =	smul.u32 $0x138800, s9  }
0x9: {  	s17 =	simm.s32 $0x50;
	[smem:$0x7FF] =	sst s7;
	s11 =	smul.u32 $0x280, s3  }
0xa: {  	s18 =	simm.s32 $0x0;
	s12 =	smul.u32 $0x14000, s3;
	_ =	strace $0x80000047  }
0xb: {  	s29 =	ssub.s32 $0x2, s9;
	s9 =	sshll.u32 s9, $0x4;
	s14 =	smul.u32 $0x50000, s3  }
0xc: {  	s13 =	sshrl.u32 s29, $0x1;
	s9 =	sor.u32 s3, s9;
	s11 =	ssub.s32 $0x2710, s11  }
0xd: {  	s10 =	sadd.s32 s12, s10;
	s30 =	ssub.s32 s29, s13;
	s9 =	smul.u32 $0x2710, s9  }
0xe: {  	s31 =	sshrl.u32 s14, $0x2;
	s11 =	smin.u32 s11, $0x280;
	s10 =	sshrl.u32 s10, $0x3  }
0xf: {  	s13 =	simm.s32 $0x180;
	s11 =	smul.u32 $0x334, s11;
	s15 =	sadd.s32 s10, s8  }
0x10: {  	s14 =	simm.s32 $0x1;
	s10 =	smax.u32 s30, $0x1;
	s12 =	sadd.s32 $0x3000, s15  }
0x11: {  	v0 =	vimm.f32 $0.0e+00;
	s15 =	simm.s32 $0x80;
	s8 =	sshrl.u32 s11, $0x10;
	s11 =	sadd.s32 s31, s6  }
.LBB2_1:
0x12: {  	s19 =	simm.s32 $0x0;
	s20 =	simm.s32 $0x200  }
.LBB2_2:
0x13: {  	p0 =	sne.s32 s20, $0x9E00;
	[tilespmem:s19+$0x1F0] =	vst v0  }
0x14: {  	[tilespmem:s19+$0x180] =	vst v0  }
0x15: {  	[tilespmem:s19+$0x190] =	vst v0  }
.Ltmp0:
0x16: {  	[tilespmem:s19+$0x1A0] =	vst v0;
	(pc) =	sbr.rel @p0 .LBB2_2-.Ltmp0, $4  }
0x17: {  	[tilespmem:s19+$0x1B0] =	vst v0  }
0x18: {  	[tilespmem:s19+$0x1C0] =	vst v0  }
0x19: {  	[tilespmem:s19+$0x1D0] =	vst v0  }
0x1a: {  	[tilespmem:s19+$0x1E0] =	vst v0;
	s19 =	sshra.s32 s20, $0x2;
	s20 =	sadd.s32 $0x200, s20  }
0x1b: {  	[tilespmem:s19+$0x1F0] =	vst v0  }
0x1c: {  	[tilespmem:s19+$0x180] =	vst v0  }
0x1d: {  	[tilespmem:s19+$0x190] =	vst v0  }
0x1e: {  	[tilespmem:s19+$0x1A0] =	vst v0  }
0x1f: {  	[tilespmem:s19+$0x1B0] =	vst v0  }
0x20: {  	[tilespmem:s19+$0x1C0] =	vst v0;
	p0 =	sne.s32 s8, $0x1  }
.Ltmp1:
0x21: {  	[tilespmem:s19+$0x1D0] =	vst v0;
	(pc) =	sbr.rel @!p0 .LBB2_5-.Ltmp1, $4  }
0x22: {  	[tilespmem:s19+$0x1E0] =	vst v0  }
0x23: {  	[spmem:s11] =	stream.linear.scatter [tilespmem:s13], [sflag:$0x1], $0x2800, $0x38;
	[tilespmem:$0x16200] =	vst v63  }
0x24: {  	_ =	swait.ge [sflag:s14], $0x2800  }
0x25: {  	s19 =	sadd.s32 $0xFFFFFFFF, s8;
	s20 =	smov.u32 s11;
	[sflag:s14] =	ssyncset.done $0x0  }
.LBB2_4:
0x26: {  	p1 =	sne.s32 s19, $0x1;
	[sflag:s14] =	ssyncadd.s32 $0xFFFFD800;
	s20 =	sadd.s32 $0x2800, s20  }
.Ltmp2:
0x27: {  	s19 =	sadd.s32 $0xFFFFFFFF, s19;
	(pc) =	sbr.rel @p1 .LBB2_4-.Ltmp2, $4  }
0x28: {  	_ = 	snop  }
0x29: {  	[spmem:s20] =	stream.linear.scatter [tilespmem:s13], [sflag:$0x1], $0x2800, $0x38;
	[tilespmem:$0x16200] =	vst v63  }
0x2a: {  	_ =	swait.ge [sflag:s14], $0x2800  }
0x2b: {  	[sflag:s14] =	ssyncset.done $0x0  }
.LBB2_5:
0x2c: {  	[sflag:s14] =	ssyncadd.s32 $0xFFFFD800  }
0x2d: {  	s19 =	simm.s32 $0x0;
	s20 =	simm.s32 $0x0;
	[bflag:$0x0] =	sbarrier.arrive $0xFFFF  }
.LBB2_6:
0x2e: {  	s21 =	smul.u32 $0x50, s20;
	_ =	sdelay $0x1  }
0x2f: {  	s21 =	sadd.s32 s9, s21  }
0x30: {  	s21 =	sshrl.u32 s21, $0x3  }
0x31: {  	s22 =	sadd.s32 s1, s21  }
0x32: {  	[tilespmem:s19], [sflag:$0x1] =	stream.linear.gather [hbm4b:s22+s19], $0x50, $0x38;
	[tilespmem:$0x16200] =	vst v63  }
0x33: {  	_ =	swait.ge [sflag:s14], $0x50  }
0x34: {  	[sflag:s14] =	ssyncset.done $0x0  }
0x35: {  	s31 =	sadd.s32 s2, s21;
	[sflag:s14] =	ssyncadd.s32 $0xFFFFFFB0  }
0x36: {  	[tilespmem:s15], [sflag:$0x1] =	stream.linear.gather [hbm4b:s31+s19], $0x50, $0x38;
	[tilespmem:$0x16200] =	vst v63  }
0x37: {  	_ =	swait.ge [sflag:s14], $0x50  }
0x38: {  	[sflag:s14] =	ssyncset.done $0x0  }
0x39: {  	s21 =	sadd.s32 s4, s21;
	[sflag:s14] =	ssyncadd.s32 $0xFFFFFFB0  }
0x3a: {  	[tilespmem:s16], [sflag:$0x1] =	stream.linear.gather [hbm4b:s21+s19], $0x50, $0x38;
	[tilespmem:$0x16200] =	vst v63  }
0x3b: {  	_ =	swait.ge [sflag:s14], $0x50  }
0x3c: {  	[sflag:s14] =	ssyncset.done $0x0  }
0x3d: {  	[sflag:s14] =	ssyncadd.s32 $0xFFFFFFB0  }
0x3e: {  	[tilespmem:s13], [sflag:$0x1] =	stream.indirect.gather [hbm4b:s0+s17], $0x80, s15, s17, $0xb8;
	[tilespmem:$0x16200] =	vst v63  }
0x3f: {  	_ =	swait.ge [sflag:s14], $0x2800  }
0x40: {  	v1 =	vmov s19;
	[sflag:s14] =	ssyncset.done $0x0  }
0x41: {  	s21 =	simm.s32 $0x1C0;
	[sflag:s14] =	ssyncadd.s32 $0xFFFFD800  }
0x42: {  	v5 =	vld [tilespmem:s21+$0x30]  }
0x43: {  	v8 =	vld [tilespmem:s21+$0x10]  }
0x44: {  	v6 =	vld [tilespmem:s21+$0xFFFFFFC0]  }
0x45: {  	v2 =	vld.idx.msk [tilespmem:v1+s16+$0x0], $0xffff  }
0x46: {  	v10 =	vld [tilespmem:s21+$0xFFFFFFE0]  }
0x47: {  	v1 =	vld [tilespmem:s21+$0xFFFFFFF0]  }
0x48: {  	v3 =	vld [tilespmem:s21+$0x20]  }
0x49: {  	v4 =	vld [tilespmem:s21+$0xFFFFFFD0]  }
0x4a: {  	v9 =	vmul.f32 v5, v2;
	v5 =	vld [tilespmem:s21+$0x0]  }
0x4b: {  	v7 =	vmul.f32 v6, v2  }
0x4c: {  	s23 =	simm.s32 $0x1C0;
	s22 =	simm.s32 $0x1;
	v6 =	vmul.f32 v10, v2;
	v8 =	vmul.f32 v8, v2  }
.LBB2_7:
0x4d: {  	p1 =	sne.s32 s22, $0x4F  }
0x4e: {  	v4 =	vmul.f32 v4, v2;
	v3 =	vmul.f32 v3, v2;
	[tilespmem:s21+$0x30] =	vst v9;
	s23 =	sadd.s32 $0x80, s23;
	s24 =	smov.u32 s22;
	s22 =	sadd.s32 $0x1, s22  }
0x4f: {  	[tilespmem:s21+$0xFFFFFFC0] =	vst v7;
	v7 =	vmul.f32 v1, v2;
	v2 =	vmul.f32 v5, v2  }
0x50: {  	[tilespmem:s21+$0x10] =	vst v8  }
0x51: {  	v5 =	vmov s24;
	[tilespmem:s21+$0xFFFFFFE0] =	vst v6  }
0x52: {  	v1 =	vld [tilespmem:s23+$0xFFFFFFF0];
	[tilespmem:s21+$0xFFFFFFF0] =	vst v7  }
0x53: {  	v6 =	vld [tilespmem:s23+$0x30];
	[tilespmem:s21+$0x0] =	vst v2  }
0x54: {  	v8 =	vld [tilespmem:s23+$0x10];
	[tilespmem:s21+$0x20] =	vst v3  }
0x55: {  	v7 =	vld [tilespmem:s23+$0xFFFFFFC0];
	[tilespmem:s21+$0xFFFFFFD0] =	vst v4;
	s21 =	smov.u32 s23  }
0x56: {  	v2 =	vld.idx.msk [tilespmem:v5+s16+$0x0], $0xffff  }
0x57: {  	v10 =	vld [tilespmem:s23+$0xFFFFFFE0]  }
0x58: {  	v3 =	vld [tilespmem:s23+$0x20]  }
.Ltmp3:
0x59: {  	v4 =	vld [tilespmem:s23+$0xFFFFFFD0];
	(pc) =	sbr.rel @p1 .LBB2_7-.Ltmp3, $3  }
0x5a: {  	v5 =	vld [tilespmem:s23+$0x0];
	_ =	sdelay $0x1  }
0x5b: {  	v7 =	vmul.f32 v7, v2;
	v9 =	vmul.f32 v6, v2  }
0x5c: {  	v8 =	vmul.f32 v8, v2;
	v6 =	vmul.f32 v10, v2  }
0x5d: {  	[tilespmem:s21+$0x30] =	vst v9  }
0x5e: {  	[tilespmem:s21+$0xFFFFFFC0] =	vst v7  }
0x5f: {  	v1 =	vmul.f32 v1, v2;
	[tilespmem:s21+$0x10] =	vst v8  }
0x60: {  	v3 =	vmul.f32 v3, v2;
	[tilespmem:s21+$0xFFFFFFE0] =	vst v6  }
0x61: {  	v5 =	vmul.f32 v5, v2;
	[tilespmem:s21+$0xFFFFFFF0] =	vst v1  }
0x62: {  	s20 =	sadd.s32 $0x1, s20;
	v1 =	vmul.f32 v4, v2;
	[tilespmem:s21+$0x20] =	vst v3  }
0x63: {  	p1 =	sne.s32 s20, $0x7D;
	[tilespmem:s21+$0x0] =	vst v5  }
.Ltmp4:
0x64: {  	[tilespmem:s21+$0xFFFFFFD0] =	vst v1;
	(pc) =	sbr.rel @p1 .LBB2_6-.Ltmp4, $4  }
0x65: {  	[spmem:s6] =	stream.indirect.scatter.add.f32 [tilespmem:s13], [sflag:$0x1], $0x80, s7, s17, $0xb8;
	[tilespmem:$0x16200] =	vst v63  }
0x66: {  	_ =	swait.ge [sflag:s14], $0x2800  }
0x67: {  	[sflag:s14] =	ssyncset.done $0x0  }
0x68: {  	[sflag:s14] =	ssyncadd.s32 $0xFFFFD800  }
0x69: {  	[bflag:$0x0] =	sbarrier.arrive $0xFFFF  }
0x6a: {  	[tilespmem:s13], [sflag:$0x1] =	stream.linear.gather [spmem:s11], $0x2800, $0x38;
	[tilespmem:$0x16200] =	vst v63  }
0x6b: {  	_ =	swait.ge [sflag:s14], $0x2800  }
.Ltmp5:
0x6c: {  	[sflag:s14] =	ssyncset.done $0x0;
	(pc) =	sbr.rel @!p0 .LBB2_11-.Ltmp5, $4  }
0x6d: {  	[sflag:s14] =	ssyncadd.s32 $0xFFFFD800  }
0x6e: {  	[hbm4b:s12+s7] =	stream.linear.scatter [tilespmem:s13], [sflag:$0x1], $0x2800, $0x38;
	[tilespmem:$0x16200] =	vst v63  }
0x6f: {  	s19 =	sadd.s32 $0xFFFFFFFF, s8;
	_ =	swait.ge [sflag:s14], $0x2800  }
0x70: {  	s20 =	smov.u32 s12;
	s21 =	smov.u32 s11;
	[sflag:s14] =	ssyncset.done $0x0  }
.LBB2_10:
0x71: {  	[sflag:s14] =	ssyncadd.s32 $0xFFFFD800;
	s20 =	sadd.s32 $0x500, s20;
	s21 =	sadd.s32 $0x2800, s21  }
0x72: {  	[tilespmem:s13], [sflag:$0x1] =	stream.linear.gather [spmem:s21], $0x2800, $0x38;
	[tilespmem:$0x16200] =	vst v63  }
0x73: {  	p0 =	sne.s32 s19, $0x1;
	s19 =	sadd.s32 $0xFFFFFFFF, s19;
	_ =	swait.ge [sflag:s14], $0x2800  }
.Ltmp6:
0x74: {  	[sflag:s14] =	ssyncset.done $0x0;
	(pc) =	sbr.rel @p0 .LBB2_10-.Ltmp6, $4  }
0x75: {  	[sflag:s14] =	ssyncadd.s32 $0xFFFFD800  }
0x76: {  	[hbm4b:s20+s7] =	stream.linear.scatter [tilespmem:s13], [sflag:$0x1], $0x2800, $0x38;
	[tilespmem:$0x16200] =	vst v63  }
0x77: {  	_ =	swait.ge [sflag:s14], $0x2800  }
0x78: {  	[sflag:s14] =	ssyncset.done $0x0  }
.LBB2_11:
0x79: {  	s18 =	sadd.s32 $0x1, s18  }
0x7a: {  	p0 =	sne.s32 s18, s10  }
.Ltmp7:
0x7b: {  	_ = 	snop;
	(pc) =	sbr.rel @p0 .LBB2_1-.Ltmp7, $2  }
0x7c: {  	_ =	sdelay $0x2  }
0x7d: {  	[sflag:s14] =	ssyncadd.s32 $0xFFFFD800  }
0x7e: {  	_ =	sfence.sel $0x180000  }
0x7f: {  	[bflag:$0x0] =	sbarrier.arrive $0xFFFF  }
0x80: {  	p0 =	sne.s32 s3, $0x0;
	_ =	strace $0x90000047  }
0x81: {  	s0 =	sadd.s32 @!p0 $0x100000, s5;
	[bflag:$0x2] =	sbarrier.arrive $0xFFFF  }
0x82: {  	[sflag:s0] =	ssyncadd.tile.s32 @!p0 $0x1;
	_ =	shalt  }
.Lfunc_end2:
_tile_overlayer_lowered:
.L_overlay_start_2:
0x83: {  	(tag) =	ssettag $0x2  }
0x84: {  	s0 =	rddreg [dreg:$0x0];
	s2 =	stileid.u32  }
0x85: {  	s1 =	rddreg [dreg:$0x1];
	p0 =	sne.s32 s2, $0x0  }
0x86: {  	s3 =	rddreg [dreg:$0x2];
	[bflag:$0x3] =	sbarrier.arrive $0xFFFF;
	s2 =	simm.s32 @!p0 $0x1C01  }
0x87: {  	[timem:s3], [sflag:s2] =	dma.local @!p0 [hbm:s0], s1  }
0x88: {  	s0 =	simm.s32 @!p0 $0x1  }
0x89: {  	_ =	swait.ge @!p0 [sflag:s0], s1  }
0x8a: {  	s1 =	ssub.s32 @!p0 $0x0, s1;
	[sflag:s0] =	ssyncset.done @!p0 $0x0  }
0x8b: {  	[sflag:s0] =	ssyncadd.s32 @!p0 s1  }
0x8c: {  	[bflag:$0x3] =	sbarrier.arrive $0xFFFF  }
0x8d: {  	_ =	shalt  }

// kernel: kernel.13.cloned.1.call-start
scs
__scs_entry_jumppad:
0x0: {  	(pc) =	sbr.rel $0x88, $3  }
0x1: {  	(tag) =	ssettag $0x0;
	lr =	simm.s32 $0x1  }
0x2: {  	[smem:$0x3F9C] =	sst lr;
	_ =	strace $0xD0000000  }
0x3: {  	_ = 	snop  }
0x4: {  	_ = 	snop  }
0x5: {  	_ = 	snop  }
0x6: {  	_ = 	snop  }
0x7: {  	_ = 	snop  }
__scs_overlays_trampoline_lowered:
0x8: {  	[smem:$0x3FAB] =	sst s0  }
0x9: {  	[smem:$0x3FAC] =	sst s1  }
0xa: {  	[smem:$0x3FAD] =	sst s2  }
0xb: {  	[smem:$0x3FAE] =	sst s3  }
0xc: {  	[smem:$0x3FAF] =	sst s4  }
0xd: {  	[smem:$0x3FB0] =	sst s5  }
0xe: {  	[smem:$0x3FB1] =	sst s6  }
0xf: {  	[smem:$0x3FB2] =	sst s7  }
0x10: {  	[smem:$0x3FB3] =	sst s8  }
0x11: {  	[smem:$0x3FB4] =	sst s9;
	s0 =	simm.s32 @!p0 $0x0  }
0x12: {  	s1 =	sld [smem:$0x3F9A];
	s0 =	simm.s32 @p0 $0x1  }
0x13: {  	[smem:$0x3FB5] =	sst s0;
	s0 =	simm.s32 @!p1 $0x0  }
0x14: {  	s2 =	sld [smem:$0x3F99];
	s0 =	simm.s32 @p1 $0x1  }
0x15: {  	[smem:$0x3FB6] =	sst s0;
	s0 =	simm.s32 @!p2 $0x0  }
0x16: {  	s3 =	sld [smem:$0x3FDB];
	s0 =	simm.s32 @p2 $0x1  }
0x17: {  	s4 =	simm.s32 $0x1BF5;
	[smem:$0x3FB8] =	sst s0  }
0x18: {  	s0 =	sld [smem:$0x3F9B];
	_ =	swait.ge [sflag:s4], $0x0  }
0x19: {  	s7 =	sld [smem:$0x3F9C]  }
0x1a: {  	s8 =	sadd.s32 $0xFFFFE003, lr  }
0x1b: {  	s9 =	sadd.s32 $0xFFFFFEF7, lr;
	s5 =	simm.s32 $0xFFFFFFFF;
	p2 =	slt.u32 s8, $0xFFFFF086  }
0x1c: {  	p1 =	slt.u32 s9, $0xF7A;
	s5 =	simm.s32 @!p2 $0x0  }
0x1d: {  	s5 =	simm.s32 @p1 $0x1;
	p0 =	seq.s32 s7, s2  }
0x1e: {  	s7 =	smul.u32 @!p0 $0xF7A, s2;
	p2 =	seq.s32 @!p0 s5, $0x0  }
0x1f: {  	s9 =	smul.u32 $0xF7A, s1;
	s8 =	simm.s32 @!p0 $0x1BF5;
	p2 =	por !p2, p0  }
0x20: {  	[sflag:s8] =	ssyncset.s32 @!p0 $0xFFFFF086;
	s6 =	sadd.s32 @!p0 s3, s7;
	s7 =	simm.s32 @!p0 $0x108  }
0x21: {  	s3 =	sadd.s32 s3, s9;
	s6 =	sadd.s32 @!p0 $0x88, s6;
	s7 =	simm.s32 @p2 $0x1082  }
0x22: {  	[simem:s7], [sflag:s8] =	dma.local @!p0 [hbm:s6], $0xF7A  }
0x23: {  	s9 =	sor.u32 $0xD0000000, s2;
	s6 =	simm.s32 $0x108;
	_ =	swait.ge @!p0 [sflag:s8], $0x0  }
0x24: {  	s3 =	sadd.s32 $0x88, s3;
	s6 =	simm.s32 @!p1 $0x1082;
	[sflag:s4] =	ssyncset.s32 $0xFFFFF086  }
0x25: {  	[simem:s6], [sflag:s4] =	dma.local [hbm:s3], $0xF7A  }
0x26: {  	[smem:$0x3F9C] =	sst s1;
	(tag) =	ssettag s2;
	_ =	strace s9  }
0x27: {  	s1 =	sld [smem:$0x3FAC]  }
0x28: {  	s2 =	sld [smem:$0x3FAD]  }
0x29: {  	s4 =	sld [smem:$0x3FAF]  }
0x2a: {  	p0 =	seq.s32 s5, $0x0;
	s5 =	sld [smem:$0x3FB0]  }
0x2b: {  	s6 =	sld [smem:$0x3FB1]  }
0x2c: {  	s7 =	sld [smem:$0x3FB2]  }
0x2d: {  	s3 =	simm.s32 $0x108;
	s8 =	sld [smem:$0x3FB3]  }
0x2e: {  	s3 =	simm.s32 @!p0 $0x1082;
	s9 =	sld [smem:$0x3FB4]  }
0x2f: {  	lr =	sadd.s32 s0, s3;
	s0 =	sld [smem:$0x3FAB]  }
0x30: {  	s3 =	sld [smem:$0x3FAE]  }
0x31: {  	[smem:$0x3FB7] =	sst s10  }
0x32: {  	s10 =	sld [smem:$0x3FB5];
	_ =	sdelay $0x3  }
0x33: {  	p0 =	seq.s32 s10, $0x1;
	s10 =	sld [smem:$0x3FB7];
	_ =	sdelay $0x3  }
0x34: {  	[smem:$0x3FB7] =	sst s10  }
0x35: {  	s10 =	sld [smem:$0x3FB6];
	_ =	sdelay $0x3  }
0x36: {  	p1 =	seq.s32 s10, $0x1;
	s10 =	sld [smem:$0x3FB7];
	_ =	sdelay $0x3  }
0x37: {  	[smem:$0x3FB7] =	sst s10  }
0x38: {  	s10 =	sld [smem:$0x3FB8]  }
0x39: {  	_ = 	snop;
	(pc) =	sbr.ind lr, $3  }
0x3a: {  	_ = 	snop  }
0x3b: {  	_ = 	snop  }
0x3c: {  	p2 =	seq.s32 s10, $0x1;
	s10 =	sld [smem:$0x3FB7]  }
0x3d: {  	_ =	shalt  }
0x3e: {  	_ =	shalt  }
0x3f: {  	_ =	shalt  }
0x40: {  	_ =	shalt  }
0x41: {  	_ =	shalt  }
0x42: {  	_ =	shalt  }
0x43: {  	_ =	shalt  }
0x44: {  	_ =	shalt  }
0x45: {  	_ =	shalt  }
0x46: {  	_ =	shalt  }
0x47: {  	_ =	shalt  }
0x48: {  	_ =	shalt  }
0x49: {  	_ =	shalt  }
0x4a: {  	_ =	shalt  }
0x4b: {  	_ =	shalt  }
0x4c: {  	_ =	shalt  }
0x4d: {  	_ =	shalt  }
0x4e: {  	_ =	shalt  }
0x4f: {  	_ =	shalt  }
0x50: {  	_ =	shalt  }
0x51: {  	_ =	shalt  }
0x52: {  	_ =	shalt  }
0x53: {  	_ =	shalt  }
0x54: {  	_ =	shalt  }
0x55: {  	_ =	shalt  }
0x56: {  	_ =	shalt  }
0x57: {  	_ =	shalt  }
0x58: {  	_ =	shalt  }
0x59: {  	_ =	shalt  }
0x5a: {  	_ =	shalt  }
0x5b: {  	_ =	shalt  }
0x5c: {  	_ =	shalt  }
0x5d: {  	_ =	shalt  }
0x5e: {  	_ =	shalt  }
0x5f: {  	_ =	shalt  }
0x60: {  	_ =	shalt  }
0x61: {  	_ =	shalt  }
0x62: {  	_ =	shalt  }
0x63: {  	_ =	shalt  }
0x64: {  	_ =	shalt  }
0x65: {  	_ =	shalt  }
0x66: {  	_ =	shalt  }
0x67: {  	_ =	shalt  }
0x68: {  	_ =	shalt  }
0x69: {  	_ =	shalt  }
0x6a: {  	_ =	shalt  }
0x6b: {  	_ =	shalt  }
0x6c: {  	_ =	shalt  }
0x6d: {  	_ =	shalt  }
0x6e: {  	_ =	shalt  }
0x6f: {  	_ =	shalt  }
0x70: {  	_ =	shalt  }
0x71: {  	_ =	shalt  }
0x72: {  	_ =	shalt  }
0x73: {  	_ =	shalt  }
0x74: {  	_ =	shalt  }
0x75: {  	_ =	shalt  }
0x76: {  	_ =	shalt  }
0x77: {  	_ =	shalt  }
0x78: {  	_ =	shalt  }
0x79: {  	_ =	shalt  }
0x7a: {  	_ =	shalt  }
0x7b: {  	_ =	shalt  }
0x7c: {  	_ =	shalt  }
0x7d: {  	_ =	shalt  }
0x7e: {  	_ =	shalt  }
0x7f: {  	_ =	shalt  }
0x80: {  	_ =	shalt  }
0x81: {  	_ =	shalt  }
0x82: {  	_ =	shalt  }
0x83: {  	_ =	shalt  }
0x84: {  	_ =	shalt  }
0x85: {  	_ =	shalt  }
0x86: {  	_ =	shalt  }
0x87: {  	_ =	shalt  }
.Lfunc_end0:
.L_simem_size_0:
called_computation.1_lowered:
.L_overlay_start_0:
0x88: {  	s2 =	sld [smem:$0x3FD9]  }
0x89: {  	s3 =	sld [smem:$0x3FFE];
	_ =	sdelay $0x1  }
0x8a: {  	s1 =	srdreg.scid  }
0x8b: {  	s0 =	sand.u32 $0x1, s1  }
0x8c: {  	s17 =	sshll.u32 s0, $0xA;
	s2 =	sadd.s32 s3, s2  }
0x8d: {  	s2 =	sadd.s32 s2, s17  }
0x8e: {  	[smem:$0x3FC3] =	sst s2  }
0x8f: {  	_ = 	snop  }
0x90: {  	s2 =	sld [smem:$0x3FC8]  }
0x91: {  	s18 =	sld [smem:$0x3FC7]  }
0x92: {  	s4 =	sld [smem:$0x3FC6]  }
0x93: {  	s5 =	sld [smem:$0x3FD0];
	(tm) =	ssettm $0x1  }
0x94: {  	s6 =	sld [smem:$0x3FFB];
	_ =	sdelay $0x3  }
0x95: {  	_ =	strace s6  }
0x96: {  	s6 =	sld [smem:$0x3FFC];
	_ =	sdelay $0x3  }
0x97: {  	_ =	strace s6  }
0x98: {  	s6 =	sld [smem:$0x3FFD];
	_ =	sdelay $0x3  }
0x99: {  	_ =	strace s6  }
0x9a: {  	_ =	strace $0x8FFFFFFF  }
0x9b: {  	s19 =	sld [smem:$0x3FDB];
	_ =	sdelay $0x1  }
0x9c: {  	s7 =	simm.s32 $_scs_section_size  }
0x9d: {  	s8 =	simm.s32 $_size__tile_overlayer_lowered;
	s9 =	simm.s32 $_tile_overlayer_lowered  }
0x9e: {  	s22 =	simm.s32 $0x1BFF;
	s21 =	sshll.u32 s9, $0x1;
	s6 =	sadd.s32 s7, s19  }
0x9f: {  	s10 =	simm.s32 $0x0;
	s20 =	sshll.u32 s8, $0x1;
	s8 =	sadd.s32 s21, s6  }
0xa0: {  	[timem:s10], [sflag:s22] =	dma.local [hbm:s8], s20  }
0xa1: {  	_ =	swait.ge [sflag:s22], s20  }
0xa2: {  	s7 =	ssub.s32 $0x0, s20;
	[sflag:s22] =	ssyncset.done $0x0  }
0xa3: {  	[sflag:s22] =	ssyncadd.s32 s7;
	_ =	sdelay $0x1  }
0xa4: {  	s23 =	simm.s32 $0x1B8B  }
0xa5: {  	_ =	swait.ge [sflag:s23], $0x1  }
0xa6: {  	[sflag:s23] =	ssyncset.done $0x0  }
0xa7: {  	s25 =	simm.s32 $0x1B8E;
	s24 =	sld [smem:$0x3FFE];
	[sflag:s23] =	ssyncadd.s32 $0xFFFFFFFF  }
0xa8: {  	s26 =	simm.s32 $execute0_lowered;
	[smem:$0x3FD2] =	sst s25  }
0xa9: {  	s8 =	sshll.u32 s26, $0x1;
	_ =	strace $0x80000049;
	[dreg:$0x1] =	wrdreg $0xFFFFFFFF  }
0xaa: {  	s28 =	simm.s32 $_size_execute0_lowered;
	s6 =	sadd.s32 s6, s8;
	[dreg:$0x0] =	wrdreg $0x0  }
0xab: {  	s8 =	sshll.u32 s28, $0x1;
	[dreg:$0x2] =	wrdreg s6  }
0xac: {  	[dreg:$0x3] =	wrdreg s8  }
0xad: {  	[dreg:$0x4] =	wrdreg $0xC0  }
0xae: {  	_ =	task [dreg:s10], $0x5FFFF  }
0xaf: {  	[dreg:$0x1] =	wrdreg $0xFFFFFFFF  }
0xb0: {  	[dreg:$0x0] =	wrdreg $0x60  }
0xb1: {  	[dreg:$0x2] =	wrdreg s5  }
0xb2: {  	[dreg:$0x3] =	wrdreg s2  }
0xb3: {  	[dreg:$0x4] =	wrdreg s18  }
0xb4: {  	[dreg:$0x5] =	wrdreg s4  }
0xb5: {  	[dreg:$0x6] =	wrdreg s24  }
0xb6: {  	[dreg:$0x7] =	wrdreg $0x29800  }
0xb7: {  	[dreg:$0x8] =	wrdreg $0x9  }
0xb8: {  	_ =	task.clear_ibuf [dreg:s10], $0x9FFFF;
	_ =	strace $0x90000049  }
0xb9: {  	s29 =	simm.s32 $0x9;
	_ =	strace $0x8000004B  }
0xba: {  	_ =	swait.ge [sflag:s29], $0x1  }
0xbb: {  	[sflag:s29] =	ssyncadd.s32 $0xFFFFFFFF  }
0xbc: {  	_ =	strace $0x9000004B  }
0xbd: {  	_ =	sfence  }
0xbe: {  	s30 =	sld [smem:$0x0];
	_ =	sdelay $0x2  }
0xbf: {  	s31 =	sshll.u32 s1, $0xD;
	s1 =	sshrl.u32 s1, $0x2  }
0xc0: {  	s3 =	sand.u32 $0x4000, s31;
	s1 =	sadd.s32 s1, s30  }
0xc1: {  	s0 =	sor.u32 s3, s0;
	s1 =	sshll.u32 s1, $0x11  }
0xc2: {  	s0 =	sor.u32 s1, s0  }
0xc3: {  	s0 =	sadd.s32 $0x8F2B, s0  }
0xc4: {  	[sflag:s0] =	ssyncadd.remote.s32 $0x1  }
0xc5: {  	_ =	sfence.sel $0xFFFF  }
0xc6: {  	[dreg:$0x0] =	wrdreg $0xFFFFFFFF;
	(pc) =	sbr.abs _section_cstart, $3  }
0xc7: {  	[dreg:$0x1] =	wrdreg $0xFFFFFFFF  }
0xc8: {  	_ =	task.clear_ibuf [dreg:s10], $0x2FFFF;
	_ =	strace $0x9FFFFFFF  }
0xc9: {  	(tm) =	ssettm $0x7FFFFFFF  }
tec
execute0_lowered:
.L_overlay_start_1:
0x0: {  	(tag) =	ssettag $0x1  }
0x1: {  	s0 =	rddreg [dreg:$0x0]  }
0x2: {  	s1 =	rddreg [dreg:$0x1]  }
0x3: {  	s2 =	rddreg [dreg:$0x2]  }
0x4: {  	s4 =	rddreg [dreg:$0x3]  }
0x5: {  	s8 =	rddreg [dreg:$0x4]  }
0x6: {  	s3 =	srdreg.scid;
	s6 =	rddreg [dreg:$0x5]  }
0x7: {  	s5 =	rddreg [dreg:$0x6];
	s7 =	simm.s32 $0x0;
	s9 =	sand.u32 $0x1, s3  }
0x8: {  	s16 =	simm.s32 $0x100;
	s3 =	stileid.u32;
	s10 =	smul.u32 $0x138800, s9  }
0x9: {  	s17 =	simm.s32 $0x50;
	[smem:$0x7FF] =	sst s7;
	s11 =	smul.u32 $0x280, s3  }
0xa: {  	s18 =	simm.s32 $0x0;
	s12 =	smul.u32 $0x14000, s3;
	_ =	strace $0x8000004A  }
0xb: {  	s29 =	ssub.s32 $0x2, s9;
	s9 =	sshll.u32 s9, $0x4;
	s14 =	smul.u32 $0x50000, s3  }
0xc: {  	s13 =	sshrl.u32 s29, $0x1;
	s9 =	sor.u32 s3, s9;
	s11 =	ssub.s32 $0x2710, s11  }
0xd: {  	s10 =	sadd.s32 s12, s10;
	s30 =	ssub.s32 s29, s13;
	s9 =	smul.u32 $0x2710, s9  }
0xe: {  	s31 =	sshrl.u32 s14, $0x2;
	s11 =	smin.u32 s11, $0x280;
	s10 =	sshrl.u32 s10, $0x3  }
0xf: {  	s13 =	simm.s32 $0x180;
	s11 =	smul.u32 $0x334, s11;
	s15 =	sadd.s32 s10, s8  }
0x10: {  	s14 =	simm.s32 $0x1;
	s10 =	smax.u32 s30, $0x1;
	s12 =	sadd.s32 $0x3000, s15  }
0x11: {  	v0 =	vimm.f32 $0.0e+00;
	s15 =	simm.s32 $0x80;
	s8 =	sshrl.u32 s11, $0x10;
	s11 =	sadd.s32 s31, s6  }
.LBB2_1:
0x12: {  	s19 =	simm.s32 $0x0;
	s20 =	simm.s32 $0x200  }
.LBB2_2:
0x13: {  	p0 =	sne.s32 s20, $0x9E00;
	[tilespmem:s19+$0x1F0] =	vst v0  }
0x14: {  	[tilespmem:s19+$0x180] =	vst v0  }
0x15: {  	[tilespmem:s19+$0x190] =	vst v0  }
.Ltmp0:
0x16: {  	[tilespmem:s19+$0x1A0] =	vst v0;
	(pc) =	sbr.rel @p0 .LBB2_2-.Ltmp0, $4  }
0x17: {  	[tilespmem:s19+$0x1B0] =	vst v0  }
0x18: {  	[tilespmem:s19+$0x1C0] =	vst v0  }
0x19: {  	[tilespmem:s19+$0x1D0] =	vst v0  }
0x1a: {  	[tilespmem:s19+$0x1E0] =	vst v0;
	s19 =	sshra.s32 s20, $0x2;
	s20 =	sadd.s32 $0x200, s20  }
0x1b: {  	[tilespmem:s19+$0x1F0] =	vst v0  }
0x1c: {  	[tilespmem:s19+$0x180] =	vst v0  }
0x1d: {  	[tilespmem:s19+$0x190] =	vst v0  }
0x1e: {  	[tilespmem:s19+$0x1A0] =	vst v0  }
0x1f: {  	[tilespmem:s19+$0x1B0] =	vst v0  }
0x20: {  	[tilespmem:s19+$0x1C0] =	vst v0;
	p0 =	sne.s32 s8, $0x1  }
.Ltmp1:
0x21: {  	[tilespmem:s19+$0x1D0] =	vst v0;
	(pc) =	sbr.rel @!p0 .LBB2_5-.Ltmp1, $4  }
0x22: {  	[tilespmem:s19+$0x1E0] =	vst v0  }
0x23: {  	[spmem:s11] =	stream.linear.scatter [tilespmem:s13], [sflag:$0x1], $0x2800, $0x38;
	[tilespmem:$0x16200] =	vst v63  }
0x24: {  	_ =	swait.ge [sflag:s14], $0x2800  }
0x25: {  	s19 =	sadd.s32 $0xFFFFFFFF, s8;
	s20 =	smov.u32 s11;
	[sflag:s14] =	ssyncset.done $0x0  }
.LBB2_4:
0x26: {  	p1 =	sne.s32 s19, $0x1;
	[sflag:s14] =	ssyncadd.s32 $0xFFFFD800;
	s20 =	sadd.s32 $0x2800, s20  }
.Ltmp2:
0x27: {  	s19 =	sadd.s32 $0xFFFFFFFF, s19;
	(pc) =	sbr.rel @p1 .LBB2_4-.Ltmp2, $4  }
0x28: {  	_ = 	snop  }
0x29: {  	[spmem:s20] =	stream.linear.scatter [tilespmem:s13], [sflag:$0x1], $0x2800, $0x38;
	[tilespmem:$0x16200] =	vst v63  }
0x2a: {  	_ =	swait.ge [sflag:s14], $0x2800  }
0x2b: {  	[sflag:s14] =	ssyncset.done $0x0  }
.LBB2_5:
0x2c: {  	[sflag:s14] =	ssyncadd.s32 $0xFFFFD800  }
0x2d: {  	s19 =	simm.s32 $0x0;
	s20 =	simm.s32 $0x0;
	[bflag:$0x0] =	sbarrier.arrive $0xFFFF  }
.LBB2_6:
0x2e: {  	s21 =	smul.u32 $0x50, s20;
	_ =	sdelay $0x1  }
0x2f: {  	s21 =	sadd.s32 s9, s21  }
0x30: {  	s21 =	sshrl.u32 s21, $0x3  }
0x31: {  	s22 =	sadd.s32 s1, s21  }
0x32: {  	[tilespmem:s19], [sflag:$0x1] =	stream.linear.gather [hbm4b:s22+s19], $0x50, $0x38;
	[tilespmem:$0x16200] =	vst v63  }
0x33: {  	_ =	swait.ge [sflag:s14], $0x50  }
0x34: {  	[sflag:s14] =	ssyncset.done $0x0  }
0x35: {  	s31 =	sadd.s32 s2, s21;
	[sflag:s14] =	ssyncadd.s32 $0xFFFFFFB0  }
0x36: {  	[tilespmem:s15], [sflag:$0x1] =	stream.linear.gather [hbm4b:s31+s19], $0x50, $0x38;
	[tilespmem:$0x16200] =	vst v63  }
0x37: {  	_ =	swait.ge [sflag:s14], $0x50  }
0x38: {  	[sflag:s14] =	ssyncset.done $0x0  }
0x39: {  	s21 =	sadd.s32 s4, s21;
	[sflag:s14] =	ssyncadd.s32 $0xFFFFFFB0  }
0x3a: {  	[tilespmem:s16], [sflag:$0x1] =	stream.linear.gather [hbm4b:s21+s19], $0x50, $0x38;
	[tilespmem:$0x16200] =	vst v63  }
0x3b: {  	_ =	swait.ge [sflag:s14], $0x50  }
0x3c: {  	[sflag:s14] =	ssyncset.done $0x0  }
0x3d: {  	[sflag:s14] =	ssyncadd.s32 $0xFFFFFFB0  }
0x3e: {  	[tilespmem:s13], [sflag:$0x1] =	stream.indirect.gather [hbm4b:s0+s17], $0x80, s15, s17, $0xb8;
	[tilespmem:$0x16200] =	vst v63  }
0x3f: {  	_ =	swait.ge [sflag:s14], $0x2800  }
0x40: {  	v1 =	vmov s19;
	[sflag:s14] =	ssyncset.done $0x0  }
0x41: {  	s21 =	simm.s32 $0x1C0;
	[sflag:s14] =	ssyncadd.s32 $0xFFFFD800  }
0x42: {  	v5 =	vld [tilespmem:s21+$0x30]  }
0x43: {  	v8 =	vld [tilespmem:s21+$0x10]  }
0x44: {  	v6 =	vld [tilespmem:s21+$0xFFFFFFC0]  }
0x45: {  	v2 =	vld.idx.msk [tilespmem:v1+s16+$0x0], $0xffff  }
0x46: {  	v10 =	vld [tilespmem:s21+$0xFFFFFFE0]  }
0x47: {  	v1 =	vld [tilespmem:s21+$0xFFFFFFF0]  }
0x48: {  	v3 =	vld [tilespmem:s21+$0x20]  }
0x49: {  	v4 =	vld [tilespmem:s21+$0xFFFFFFD0]  }
0x4a: {  	v9 =	vmul.f32 v5, v2;
	v5 =	vld [tilespmem:s21+$0x0]  }
0x4b: {  	v7 =	vmul.f32 v6, v2  }
0x4c: {  	s23 =	simm.s32 $0x1C0;
	s22 =	simm.s32 $0x1;
	v6 =	vmul.f32 v10, v2;
	v8 =	vmul.f32 v8, v2  }
.LBB2_7:
0x4d: {  	p1 =	sne.s32 s22, $0x4F  }
0x4e: {  	v4 =	vmul.f32 v4, v2;
	v3 =	vmul.f32 v3, v2;
	[tilespmem:s21+$0x30] =	vst v9;
	s23 =	sadd.s32 $0x80, s23;
	s24 =	smov.u32 s22;
	s22 =	sadd.s32 $0x1, s22  }
0x4f: {  	[tilespmem:s21+$0xFFFFFFC0] =	vst v7;
	v7 =	vmul.f32 v1, v2;
	v2 =	vmul.f32 v5, v2  }
0x50: {  	[tilespmem:s21+$0x10] =	vst v8  }
0x51: {  	v5 =	vmov s24;
	[tilespmem:s21+$0xFFFFFFE0] =	vst v6  }
0x52: {  	v1 =	vld [tilespmem:s23+$0xFFFFFFF0];
	[tilespmem:s21+$0xFFFFFFF0] =	vst v7  }
0x53: {  	v6 =	vld [tilespmem:s23+$0x30];
	[tilespmem:s21+$0x0] =	vst v2  }
0x54: {  	v8 =	vld [tilespmem:s23+$0x10];
	[tilespmem:s21+$0x20] =	vst v3  }
0x55: {  	v7 =	vld [tilespmem:s23+$0xFFFFFFC0];
	[tilespmem:s21+$0xFFFFFFD0] =	vst v4;
	s21 =	smov.u32 s23  }
0x56: {  	v2 =	vld.idx.msk [tilespmem:v5+s16+$0x0], $0xffff  }
0x57: {  	v10 =	vld [tilespmem:s23+$0xFFFFFFE0]  }
0x58: {  	v3 =	vld [tilespmem:s23+$0x20]  }
.Ltmp3:
0x59: {  	v4 =	vld [tilespmem:s23+$0xFFFFFFD0];
	(pc) =	sbr.rel @p1 .LBB2_7-.Ltmp3, $3  }
0x5a: {  	v5 =	vld [tilespmem:s23+$0x0];
	_ =	sdelay $0x1  }
0x5b: {  	v7 =	vmul.f32 v7, v2;
	v9 =	vmul.f32 v6, v2  }
0x5c: {  	v8 =	vmul.f32 v8, v2;
	v6 =	vmul.f32 v10, v2  }
0x5d: {  	[tilespmem:s21+$0x30] =	vst v9  }
0x5e: {  	[tilespmem:s21+$0xFFFFFFC0] =	vst v7  }
0x5f: {  	v1 =	vmul.f32 v1, v2;
	[tilespmem:s21+$0x10] =	vst v8  }
0x60: {  	v3 =	vmul.f32 v3, v2;
	[tilespmem:s21+$0xFFFFFFE0] =	vst v6  }
0x61: {  	v5 =	vmul.f32 v5, v2;
	[tilespmem:s21+$0xFFFFFFF0] =	vst v1  }
0x62: {  	s20 =	sadd.s32 $0x1, s20;
	v1 =	vmul.f32 v4, v2;
	[tilespmem:s21+$0x20] =	vst v3  }
0x63: {  	p1 =	sne.s32 s20, $0x7D;
	[tilespmem:s21+$0x0] =	vst v5  }
.Ltmp4:
0x64: {  	[tilespmem:s21+$0xFFFFFFD0] =	vst v1;
	(pc) =	sbr.rel @p1 .LBB2_6-.Ltmp4, $4  }
0x65: {  	[spmem:s6] =	stream.indirect.scatter.add.f32 [tilespmem:s13], [sflag:$0x1], $0x80, s7, s17, $0xb8;
	[tilespmem:$0x16200] =	vst v63  }
0x66: {  	_ =	swait.ge [sflag:s14], $0x2800  }
0x67: {  	[sflag:s14] =	ssyncset.done $0x0  }
0x68: {  	[sflag:s14] =	ssyncadd.s32 $0xFFFFD800  }
0x69: {  	[bflag:$0x0] =	sbarrier.arrive $0xFFFF  }
0x6a: {  	[tilespmem:s13], [sflag:$0x1] =	stream.linear.gather [spmem:s11], $0x2800, $0x38;
	[tilespmem:$0x16200] =	vst v63  }
0x6b: {  	_ =	swait.ge [sflag:s14], $0x2800  }
.Ltmp5:
0x6c: {  	[sflag:s14] =	ssyncset.done $0x0;
	(pc) =	sbr.rel @!p0 .LBB2_11-.Ltmp5, $4  }
0x6d: {  	[sflag:s14] =	ssyncadd.s32 $0xFFFFD800  }
0x6e: {  	[hbm4b:s12+s7] =	stream.linear.scatter [tilespmem:s13], [sflag:$0x1], $0x2800, $0x38;
	[tilespmem:$0x16200] =	vst v63  }
0x6f: {  	s19 =	sadd.s32 $0xFFFFFFFF, s8;
	_ =	swait.ge [sflag:s14], $0x2800  }
0x70: {  	s20 =	smov.u32 s12;
	s21 =	smov.u32 s11;
	[sflag:s14] =	ssyncset.done $0x0  }
.LBB2_10:
0x71: {  	[sflag:s14] =	ssyncadd.s32 $0xFFFFD800;
	s20 =	sadd.s32 $0x500, s20;
	s21 =	sadd.s32 $0x2800, s21  }
0x72: {  	[tilespmem:s13], [sflag:$0x1] =	stream.linear.gather [spmem:s21], $0x2800, $0x38;
	[tilespmem:$0x16200] =	vst v63  }
0x73: {  	p0 =	sne.s32 s19, $0x1;
	s19 =	sadd.s32 $0xFFFFFFFF, s19;
	_ =	swait.ge [sflag:s14], $0x2800  }
.Ltmp6:
0x74: {  	[sflag:s14] =	ssyncset.done $0x0;
	(pc) =	sbr.rel @p0 .LBB2_10-.Ltmp6, $4  }
0x75: {  	[sflag:s14] =	ssyncadd.s32 $0xFFFFD800  }
0x76: {  	[hbm4b:s20+s7] =	stream.linear.scatter [tilespmem:s13], [sflag:$0x1], $0x2800, $0x38;
	[tilespmem:$0x16200] =	vst v63  }
0x77: {  	_ =	swait.ge [sflag:s14], $0x2800  }
0x78: {  	[sflag:s14] =	ssyncset.done $0x0  }
.LBB2_11:
0x79: {  	s18 =	sadd.s32 $0x1, s18  }
0x7a: {  	p0 =	sne.s32 s18, s10  }
.Ltmp7:
0x7b: {  	_ = 	snop;
	(pc) =	sbr.rel @p0 .LBB2_1-.Ltmp7, $2  }
0x7c: {  	_ =	sdelay $0x2  }
0x7d: {  	[sflag:s14] =	ssyncadd.s32 $0xFFFFD800  }
0x7e: {  	_ =	sfence.sel $0x180000  }
0x7f: {  	[bflag:$0x0] =	sbarrier.arrive $0xFFFF  }
0x80: {  	p0 =	sne.s32 s3, $0x0;
	_ =	strace $0x9000004A  }
0x81: {  	s0 =	sadd.s32 @!p0 $0x100000, s5;
	[bflag:$0x2] =	sbarrier.arrive $0xFFFF  }
0x82: {  	[sflag:s0] =	ssyncadd.tile.s32 @!p0 $0x1;
	_ =	shalt  }
.Lfunc_end2:
_tile_overlayer_lowered:
.L_overlay_start_2:
0x83: {  	(tag) =	ssettag $0x2  }
0x84: {  	s0 =	rddreg [dreg:$0x0];
	s2 =	stileid.u32  }
0x85: {  	s1 =	rddreg [dreg:$0x1];
	p0 =	sne.s32 s2, $0x0  }
0x86: {  	s3 =	rddreg [dreg:$0x2];
	[bflag:$0x3] =	sbarrier.arrive $0xFFFF;
	s2 =	simm.s32 @!p0 $0x1C01  }
0x87: {  	[timem:s3], [sflag:s2] =	dma.local @!p0 [hbm:s0], s1  }
0x88: {  	s0 =	simm.s32 @!p0 $0x1  }
0x89: {  	_ =	swait.ge @!p0 [sflag:s0], s1  }
0x8a: {  	s1 =	ssub.s32 @!p0 $0x0, s1;
	[sflag:s0] =	ssyncset.done @!p0 $0x0  }
0x8b: {  	[sflag:s0] =	ssyncadd.s32 @!p0 s1  }
0x8c: {  	[bflag:$0x3] =	sbarrier.arrive $0xFFFF  }
0x8d: {  	_ =	shalt  }

// kernel: kernel.16.cloned.1.call-start
scs
__scs_entry_jumppad:
0x0: {  	(pc) =	sbr.rel $0x88, $3  }
0x1: {  	(tag) =	ssettag $0x0;
	lr =	simm.s32 $0x1  }
0x2: {  	[smem:$0x3F9C] =	sst lr;
	_ =	strace $0xD0000000  }
0x3: {  	_ = 	snop  }
0x4: {  	_ = 	snop  }
0x5: {  	_ = 	snop  }
0x6: {  	_ = 	snop  }
0x7: {  	_ = 	snop  }
__scs_overlays_trampoline_lowered:
0x8: {  	[smem:$0x3FAB] =	sst s0  }
0x9: {  	[smem:$0x3FAC] =	sst s1  }
0xa: {  	[smem:$0x3FAD] =	sst s2  }
0xb: {  	[smem:$0x3FAE] =	sst s3  }
0xc: {  	[smem:$0x3FAF] =	sst s4  }
0xd: {  	[smem:$0x3FB0] =	sst s5  }
0xe: {  	[smem:$0x3FB1] =	sst s6  }
0xf: {  	[smem:$0x3FB2] =	sst s7  }
0x10: {  	[smem:$0x3FB3] =	sst s8  }
0x11: {  	[smem:$0x3FB4] =	sst s9;
	s0 =	simm.s32 @!p0 $0x0  }
0x12: {  	s1 =	sld [smem:$0x3F9A];
	s0 =	simm.s32 @p0 $0x1  }
0x13: {  	[smem:$0x3FB5] =	sst s0;
	s0 =	simm.s32 @!p1 $0x0  }
0x14: {  	s2 =	sld [smem:$0x3F99];
	s0 =	simm.s32 @p1 $0x1  }
0x15: {  	[smem:$0x3FB6] =	sst s0;
	s0 =	simm.s32 @!p2 $0x0  }
0x16: {  	s3 =	sld [smem:$0x3FDB];
	s0 =	simm.s32 @p2 $0x1  }
0x17: {  	s4 =	simm.s32 $0x1BF5;
	[smem:$0x3FB8] =	sst s0  }
0x18: {  	s0 =	sld [smem:$0x3F9B];
	_ =	swait.ge [sflag:s4], $0x0  }
0x19: {  	s7 =	sld [smem:$0x3F9C]  }
0x1a: {  	s8 =	sadd.s32 $0xFFFFE003, lr  }
0x1b: {  	s9 =	sadd.s32 $0xFFFFFEF7, lr;
	s5 =	simm.s32 $0xFFFFFFFF;
	p2 =	slt.u32 s8, $0xFFFFF086  }
0x1c: {  	p1 =	slt.u32 s9, $0xF7A;
	s5 =	simm.s32 @!p2 $0x0  }
0x1d: {  	s5 =	simm.s32 @p1 $0x1;
	p0 =	seq.s32 s7, s2  }
0x1e: {  	s7 =	smul.u32 @!p0 $0xF7A, s2;
	p2 =	seq.s32 @!p0 s5, $0x0  }
0x1f: {  	s9 =	smul.u32 $0xF7A, s1;
	s8 =	simm.s32 @!p0 $0x1BF5;
	p2 =	por !p2, p0  }
0x20: {  	[sflag:s8] =	ssyncset.s32 @!p0 $0xFFFFF086;
	s6 =	sadd.s32 @!p0 s3, s7;
	s7 =	simm.s32 @!p0 $0x108  }
0x21: {  	s3 =	sadd.s32 s3, s9;
	s6 =	sadd.s32 @!p0 $0x88, s6;
	s7 =	simm.s32 @p2 $0x1082  }
0x22: {  	[simem:s7], [sflag:s8] =	dma.local @!p0 [hbm:s6], $0xF7A  }
0x23: {  	s9 =	sor.u32 $0xD0000000, s2;
	s6 =	simm.s32 $0x108;
	_ =	swait.ge @!p0 [sflag:s8], $0x0  }
0x24: {  	s3 =	sadd.s32 $0x88, s3;
	s6 =	simm.s32 @!p1 $0x1082;
	[sflag:s4] =	ssyncset.s32 $0xFFFFF086  }
0x25: {  	[simem:s6], [sflag:s4] =	dma.local [hbm:s3], $0xF7A  }
0x26: {  	[smem:$0x3F9C] =	sst s1;
	(tag) =	ssettag s2;
	_ =	strace s9  }
0x27: {  	s1 =	sld [smem:$0x3FAC]  }
0x28: {  	s2 =	sld [smem:$0x3FAD]  }
0x29: {  	s4 =	sld [smem:$0x3FAF]  }
0x2a: {  	p0 =	seq.s32 s5, $0x0;
	s5 =	sld [smem:$0x3FB0]  }
0x2b: {  	s6 =	sld [smem:$0x3FB1]  }
0x2c: {  	s7 =	sld [smem:$0x3FB2]  }
0x2d: {  	s3 =	simm.s32 $0x108;
	s8 =	sld [smem:$0x3FB3]  }
0x2e: {  	s3 =	simm.s32 @!p0 $0x1082;
	s9 =	sld [smem:$0x3FB4]  }
0x2f: {  	lr =	sadd.s32 s0, s3;
	s0 =	sld [smem:$0x3FAB]  }
0x30: {  	s3 =	sld [smem:$0x3FAE]  }
0x31: {  	[smem:$0x3FB7] =	sst s10  }
0x32: {  	s10 =	sld [smem:$0x3FB5];
	_ =	sdelay $0x3  }
0x33: {  	p0 =	seq.s32 s10, $0x1;
	s10 =	sld [smem:$0x3FB7];
	_ =	sdelay $0x3  }
0x34: {  	[smem:$0x3FB7] =	sst s10  }
0x35: {  	s10 =	sld [smem:$0x3FB6];
	_ =	sdelay $0x3  }
0x36: {  	p1 =	seq.s32 s10, $0x1;
	s10 =	sld [smem:$0x3FB7];
	_ =	sdelay $0x3  }
0x37: {  	[smem:$0x3FB7] =	sst s10  }
0x38: {  	s10 =	sld [smem:$0x3FB8]  }
0x39: {  	_ = 	snop;
	(pc) =	sbr.ind lr, $3  }
0x3a: {  	_ = 	snop  }
0x3b: {  	_ = 	snop  }
0x3c: {  	p2 =	seq.s32 s10, $0x1;
	s10 =	sld [smem:$0x3FB7]  }
0x3d: {  	_ =	shalt  }
0x3e: {  	_ =	shalt  }
0x3f: {  	_ =	shalt  }
0x40: {  	_ =	shalt  }
0x41: {  	_ =	shalt  }
0x42: {  	_ =	shalt  }
0x43: {  	_ =	shalt  }
0x44: {  	_ =	shalt  }
0x45: {  	_ =	shalt  }
0x46: {  	_ =	shalt  }
0x47: {  	_ =	shalt  }
0x48: {  	_ =	shalt  }
0x49: {  	_ =	shalt  }
0x4a: {  	_ =	shalt  }
0x4b: {  	_ =	shalt  }
0x4c: {  	_ =	shalt  }
0x4d: {  	_ =	shalt  }
0x4e: {  	_ =	shalt  }
0x4f: {  	_ =	shalt  }
0x50: {  	_ =	shalt  }
0x51: {  	_ =	shalt  }
0x52: {  	_ =	shalt  }
0x53: {  	_ =	shalt  }
0x54: {  	_ =	shalt  }
0x55: {  	_ =	shalt  }
0x56: {  	_ =	shalt  }
0x57: {  	_ =	shalt  }
0x58: {  	_ =	shalt  }
0x59: {  	_ =	shalt  }
0x5a: {  	_ =	shalt  }
0x5b: {  	_ =	shalt  }
0x5c: {  	_ =	shalt  }
0x5d: {  	_ =	shalt  }
0x5e: {  	_ =	shalt  }
0x5f: {  	_ =	shalt  }
0x60: {  	_ =	shalt  }
0x61: {  	_ =	shalt  }
0x62: {  	_ =	shalt  }
0x63: {  	_ =	shalt  }
0x64: {  	_ =	shalt  }
0x65: {  	_ =	shalt  }
0x66: {  	_ =	shalt  }
0x67: {  	_ =	shalt  }
0x68: {  	_ =	shalt  }
0x69: {  	_ =	shalt  }
0x6a: {  	_ =	shalt  }
0x6b: {  	_ =	shalt  }
0x6c: {  	_ =	shalt  }
0x6d: {  	_ =	shalt  }
0x6e: {  	_ =	shalt  }
0x6f: {  	_ =	shalt  }
0x70: {  	_ =	shalt  }
0x71: {  	_ =	shalt  }
0x72: {  	_ =	shalt  }
0x73: {  	_ =	shalt  }
0x74: {  	_ =	shalt  }
0x75: {  	_ =	shalt  }
0x76: {  	_ =	shalt  }
0x77: {  	_ =	shalt  }
0x78: {  	_ =	shalt  }
0x79: {  	_ =	shalt  }
0x7a: {  	_ =	shalt  }
0x7b: {  	_ =	shalt  }
0x7c: {  	_ =	shalt  }
0x7d: {  	_ =	shalt  }
0x7e: {  	_ =	shalt  }
0x7f: {  	_ =	shalt  }
0x80: {  	_ =	shalt  }
0x81: {  	_ =	shalt  }
0x82: {  	_ =	shalt  }
0x83: {  	_ =	shalt  }
0x84: {  	_ =	shalt  }
0x85: {  	_ =	shalt  }
0x86: {  	_ =	shalt  }
0x87: {  	_ =	shalt  }
.Lfunc_end0:
.L_simem_size_0:
called_computation.2_lowered:
.L_overlay_start_0:
0x88: {  	s2 =	sld [smem:$0x3FD9]  }
0x89: {  	s3 =	sld [smem:$0x3FFE];
	_ =	sdelay $0x1  }
0x8a: {  	s1 =	srdreg.scid  }
0x8b: {  	s0 =	sand.u32 $0x1, s1  }
0x8c: {  	s17 =	sshll.u32 s0, $0xA;
	s2 =	sadd.s32 s3, s2  }
0x8d: {  	s2 =	sadd.s32 s2, s17  }
0x8e: {  	[smem:$0x3FC3] =	sst s2  }
0x8f: {  	_ = 	snop  }
0x90: {  	s2 =	sld [smem:$0x3FC8]  }
0x91: {  	s18 =	sld [smem:$0x3FC7]  }
0x92: {  	s4 =	sld [smem:$0x3FC6];
	(tm) =	ssettm $0x1  }
0x93: {  	s5 =	sld [smem:$0x3FFB];
	_ =	sdelay $0x3  }
0x94: {  	_ =	strace s5  }
0x95: {  	s5 =	sld [smem:$0x3FFC];
	_ =	sdelay $0x3  }
0x96: {  	_ =	strace s5  }
0x97: {  	s5 =	sld [smem:$0x3FFD];
	_ =	sdelay $0x3  }
0x98: {  	_ =	strace s5  }
0x99: {  	_ =	strace $0x8FFFFFFF  }
0x9a: {  	s19 =	sld [smem:$0x3FDB];
	_ =	sdelay $0x1  }
0x9b: {  	s6 =	simm.s32 $_scs_section_size  }
0x9c: {  	s7 =	simm.s32 $_size__tile_overlayer_lowered;
	s8 =	simm.s32 $_tile_overlayer_lowered  }
0x9d: {  	s22 =	simm.s32 $0x1BFF;
	s21 =	sshll.u32 s8, $0x1;
	s5 =	sadd.s32 s6, s19  }
0x9e: {  	s9 =	simm.s32 $0x0;
	s20 =	sshll.u32 s7, $0x1;
	s7 =	sadd.s32 s21, s5  }
0x9f: {  	[timem:s9], [sflag:s22] =	dma.local [hbm:s7], s20  }
0xa0: {  	_ =	swait.ge [sflag:s22], s20  }
0xa1: {  	s6 =	ssub.s32 $0x0, s20;
	[sflag:s22] =	ssyncset.done $0x0  }
0xa2: {  	[sflag:s22] =	ssyncadd.s32 s6;
	_ =	sdelay $0x1  }
0xa3: {  	s23 =	simm.s32 $0x1B8B  }
0xa4: {  	_ =	swait.ge [sflag:s23], $0x1  }
0xa5: {  	[sflag:s23] =	ssyncset.done $0x0  }
0xa6: {  	s25 =	simm.s32 $0x1B8E;
	s24 =	sld [smem:$0x3FFE];
	[sflag:s23] =	ssyncadd.s32 $0xFFFFFFFF  }
0xa7: {  	s26 =	simm.s32 $execute0_lowered;
	[smem:$0x3FD2] =	sst s25  }
0xa8: {  	s7 =	sshll.u32 s26, $0x1;
	_ =	strace $0x8000004C;
	[dreg:$0x1] =	wrdreg $0xFFFFFFFF  }
0xa9: {  	s28 =	simm.s32 $_size_execute0_lowered;
	s5 =	sadd.s32 s5, s7;
	[dreg:$0x0] =	wrdreg $0x0  }
0xaa: {  	s7 =	sshll.u32 s28, $0x1;
	[dreg:$0x2] =	wrdreg s5  }
0xab: {  	[dreg:$0x3] =	wrdreg s7  }
0xac: {  	[dreg:$0x4] =	wrdreg $0xC0  }
0xad: {  	_ =	task [dreg:s9], $0x5FFFF  }
0xae: {  	[dreg:$0x1] =	wrdreg $0xFFFFFFFF  }
0xaf: {  	[dreg:$0x0] =	wrdreg $0x60  }
0xb0: {  	[dreg:$0x2] =	wrdreg s24  }
0xb1: {  	[dreg:$0x3] =	wrdreg s2  }
0xb2: {  	[dreg:$0x4] =	wrdreg s18  }
0xb3: {  	[dreg:$0x5] =	wrdreg s4  }
0xb4: {  	[dreg:$0x6] =	wrdreg $0x29800  }
0xb5: {  	[dreg:$0x7] =	wrdreg $0x9  }
0xb6: {  	_ =	task.clear_ibuf [dreg:s9], $0x8FFFF;
	_ =	strace $0x9000004C  }
0xb7: {  	s29 =	simm.s32 $0x9;
	_ =	strace $0x8000004E  }
0xb8: {  	_ =	swait.ge [sflag:s29], $0x1  }
0xb9: {  	[sflag:s29] =	ssyncadd.s32 $0xFFFFFFFF  }
0xba: {  	_ =	strace $0x9000004E  }
0xbb: {  	_ =	sfence  }
0xbc: {  	s30 =	sld [smem:$0x0];
	_ =	sdelay $0x2  }
0xbd: {  	s31 =	sshll.u32 s1, $0xD;
	s1 =	sshrl.u32 s1, $0x2  }
0xbe: {  	s3 =	sand.u32 $0x4000, s31;
	s1 =	sadd.s32 s1, s30  }
0xbf: {  	s0 =	sor.u32 s3, s0;
	s1 =	sshll.u32 s1, $0x11  }
0xc0: {  	s0 =	sor.u32 s1, s0  }
0xc1: {  	s0 =	sadd.s32 $0x8F2B, s0  }
0xc2: {  	[sflag:s0] =	ssyncadd.remote.s32 $0x1  }
0xc3: {  	_ =	sfence.sel $0xFFFF  }
0xc4: {  	[dreg:$0x0] =	wrdreg $0xFFFFFFFF;
	(pc) =	sbr.abs _section_cstart, $3  }
0xc5: {  	[dreg:$0x1] =	wrdreg $0xFFFFFFFF  }
0xc6: {  	_ =	task.clear_ibuf [dreg:s9], $0x2FFFF;
	_ =	strace $0x9FFFFFFF  }
0xc7: {  	(tm) =	ssettm $0x7FFFFFFF  }
tec
execute0_lowered:
.L_overlay_start_1:
0x0: {  	(tag) =	ssettag $0x1  }
0x1: {  	s8 =	rddreg [dreg:$0x0]  }
0x2: {  	s0 =	rddreg [dreg:$0x1]  }
0x3: {  	s1 =	rddreg [dreg:$0x2]  }
0x4: {  	s4 =	rddreg [dreg:$0x3];
	s2 =	srdreg.scid  }
0x5: {  	s5 =	rddreg [dreg:$0x4];
	s3 =	stileid.u32  }
0x6: {  	s6 =	simm.s32 $0x0;
	s16 =	simm.s32 $0x100;
	s7 =	smul.u32 $0x280, s3  }
0x7: {  	s17 =	simm.s32 $0x50;
	s18 =	simm.s32 $0x0;
	s11 =	smul.u32 $0x14000, s3  }
0x8: {  	s9 =	sand.u32 $0x1, s2;
	[smem:$0x7FF] =	sst s6;
	s14 =	smul.u32 $0x50000, s3  }
0x9: {  	s2 =	rddreg [dreg:$0x5];
	s10 =	smul.u32 $0x138800, s9;
	_ =	strace $0x8000004D  }
0xa: {  	s29 =	ssub.s32 $0x2, s9;
	s9 =	sshll.u32 s9, $0x4;
	s12 =	ssub.s32 $0x2710, s7  }
0xb: {  	s7 =	sadd.s32 $0x3000, s8;
	s13 =	sshrl.u32 s29, $0x1;
	s9 =	sor.u32 s3, s9  }
0xc: {  	s31 =	sshrl.u32 s14, $0x2;
	s14 =	simm.s32 $0x1;
	s28 =	smin.u32 s12, $0x280  }
0xd: {  	s10 =	sadd.s32 s11, s10;
	s30 =	ssub.s32 s29, s13;
	s11 =	smul.u32 $0x334, s28  }
0xe: {  	s9 =	smul.u32 $0x2710, s9;
	s13 =	simm.s32 $0x180;
	s10 =	sshrl.u32 s10, $0x3  }
0xf: {  	s15 =	sadd.s32 s10, s8;
	s10 =	smax.u32 s30, $0x1;
	s8 =	sshrl.u32 s11, $0x10  }
0x10: {  	v0 =	vimm.f32 $0.0e+00;
	s11 =	sadd.s32 s31, s5;
	s12 =	sadd.s32 $0x2A200, s15;
	s15 =	simm.s32 $0x80  }
.LBB2_1:
0x11: {  	s19 =	simm.s32 $0x0;
	s20 =	simm.s32 $0x200  }
.LBB2_2:
0x12: {  	p0 =	sne.s32 s20, $0x9E00;
	[tilespmem:s19+$0x1F0] =	vst v0  }
0x13: {  	[tilespmem:s19+$0x180] =	vst v0  }
0x14: {  	[tilespmem:s19+$0x190] =	vst v0  }
.Ltmp0:
0x15: {  	[tilespmem:s19+$0x1A0] =	vst v0;
	(pc) =	sbr.rel @p0 .LBB2_2-.Ltmp0, $4  }
0x16: {  	[tilespmem:s19+$0x1B0] =	vst v0  }
0x17: {  	[tilespmem:s19+$0x1C0] =	vst v0  }
0x18: {  	[tilespmem:s19+$0x1D0] =	vst v0  }
0x19: {  	[tilespmem:s19+$0x1E0] =	vst v0;
	s19 =	sshra.s32 s20, $0x2;
	s20 =	sadd.s32 $0x200, s20  }
0x1a: {  	[tilespmem:s19+$0x1F0] =	vst v0  }
0x1b: {  	[tilespmem:s19+$0x180] =	vst v0  }
0x1c: {  	[tilespmem:s19+$0x190] =	vst v0  }
0x1d: {  	[tilespmem:s19+$0x1A0] =	vst v0  }
0x1e: {  	[tilespmem:s19+$0x1B0] =	vst v0  }
0x1f: {  	[tilespmem:s19+$0x1C0] =	vst v0;
	p0 =	sne.s32 s8, $0x1  }
.Ltmp1:
0x20: {  	[tilespmem:s19+$0x1D0] =	vst v0;
	(pc) =	sbr.rel @!p0 .LBB2_5-.Ltmp1, $4  }
0x21: {  	[tilespmem:s19+$0x1E0] =	vst v0  }
0x22: {  	[spmem:s11] =	stream.linear.scatter [tilespmem:s13], [sflag:$0x1], $0x2800, $0x38;
	[tilespmem:$0x16200] =	vst v63  }
0x23: {  	_ =	swait.ge [sflag:s14], $0x2800  }
0x24: {  	s19 =	sadd.s32 $0xFFFFFFFF, s8;
	s20 =	smov.u32 s11;
	[sflag:s14] =	ssyncset.done $0x0  }
.LBB2_4:
0x25: {  	p1 =	sne.s32 s19, $0x1;
	[sflag:s14] =	ssyncadd.s32 $0xFFFFD800;
	s20 =	sadd.s32 $0x2800, s20  }
.Ltmp2:
0x26: {  	s19 =	sadd.s32 $0xFFFFFFFF, s19;
	(pc) =	sbr.rel @p1 .LBB2_4-.Ltmp2, $4  }
0x27: {  	_ = 	snop  }
0x28: {  	[spmem:s20] =	stream.linear.scatter [tilespmem:s13], [sflag:$0x1], $0x2800, $0x38;
	[tilespmem:$0x16200] =	vst v63  }
0x29: {  	_ =	swait.ge [sflag:s14], $0x2800  }
0x2a: {  	[sflag:s14] =	ssyncset.done $0x0  }
.LBB2_5:
0x2b: {  	[sflag:s14] =	ssyncadd.s32 $0xFFFFD800  }
0x2c: {  	s19 =	simm.s32 $0x0;
	s20 =	simm.s32 $0x0;
	[bflag:$0x0] =	sbarrier.arrive $0xFFFF  }
.LBB2_6:
0x2d: {  	s21 =	smul.u32 $0x50, s20;
	_ =	sdelay $0x1  }
0x2e: {  	s21 =	sadd.s32 s9, s21  }
0x2f: {  	s21 =	sshrl.u32 s21, $0x3  }
0x30: {  	s22 =	sadd.s32 s0, s21  }
0x31: {  	[tilespmem:s19], [sflag:$0x1] =	stream.linear.gather [hbm4b:s22+s19], $0x50, $0x38;
	[tilespmem:$0x16200] =	vst v63  }
0x32: {  	_ =	swait.ge [sflag:s14], $0x50  }
0x33: {  	[sflag:s14] =	ssyncset.done $0x0  }
0x34: {  	s31 =	sadd.s32 s1, s21;
	[sflag:s14] =	ssyncadd.s32 $0xFFFFFFB0  }
0x35: {  	[tilespmem:s15], [sflag:$0x1] =	stream.linear.gather [hbm4b:s31+s19], $0x50, $0x38;
	[tilespmem:$0x16200] =	vst v63  }
0x36: {  	_ =	swait.ge [sflag:s14], $0x50  }
0x37: {  	[sflag:s14] =	ssyncset.done $0x0  }
0x38: {  	s21 =	sadd.s32 s4, s21;
	[sflag:s14] =	ssyncadd.s32 $0xFFFFFFB0  }
0x39: {  	[tilespmem:s16], [sflag:$0x1] =	stream.linear.gather [hbm4b:s21+s19], $0x50, $0x38;
	[tilespmem:$0x16200] =	vst v63  }
0x3a: {  	_ =	swait.ge [sflag:s14], $0x50  }
0x3b: {  	[sflag:s14] =	ssyncset.done $0x0  }
0x3c: {  	[sflag:s14] =	ssyncadd.s32 $0xFFFFFFB0  }
0x3d: {  	[tilespmem:s13], [sflag:$0x1] =	stream.indirect.gather [hbm4b:s7+s17], $0x80, s15, s17, $0xb8;
	[tilespmem:$0x16200] =	vst v63  }
0x3e: {  	_ =	swait.ge [sflag:s14], $0x2800  }
0x3f: {  	v1 =	vmov s19;
	[sflag:s14] =	ssyncset.done $0x0  }
0x40: {  	s21 =	simm.s32 $0x1C0;
	[sflag:s14] =	ssyncadd.s32 $0xFFFFD800  }
0x41: {  	v5 =	vld [tilespmem:s21+$0x30]  }
0x42: {  	v8 =	vld [tilespmem:s21+$0x10]  }
0x43: {  	v6 =	vld [tilespmem:s21+$0xFFFFFFC0]  }
0x44: {  	v2 =	vld.idx.msk [tilespmem:v1+s16+$0x0], $0xffff  }
0x45: {  	v10 =	vld [tilespmem:s21+$0xFFFFFFE0]  }
0x46: {  	v1 =	vld [tilespmem:s21+$0xFFFFFFF0]  }
0x47: {  	v3 =	vld [tilespmem:s21+$0x20]  }
0x48: {  	v4 =	vld [tilespmem:s21+$0xFFFFFFD0]  }
0x49: {  	v9 =	vmul.f32 v5, v2;
	v5 =	vld [tilespmem:s21+$0x0]  }
0x4a: {  	v7 =	vmul.f32 v6, v2  }
0x4b: {  	s23 =	simm.s32 $0x1C0;
	s22 =	simm.s32 $0x1;
	v6 =	vmul.f32 v10, v2;
	v8 =	vmul.f32 v8, v2  }
.LBB2_7:
0x4c: {  	p1 =	sne.s32 s22, $0x4F  }
0x4d: {  	v4 =	vmul.f32 v4, v2;
	v3 =	vmul.f32 v3, v2;
	[tilespmem:s21+$0x30] =	vst v9;
	s23 =	sadd.s32 $0x80, s23;
	s24 =	smov.u32 s22;
	s22 =	sadd.s32 $0x1, s22  }
0x4e: {  	[tilespmem:s21+$0xFFFFFFC0] =	vst v7;
	v7 =	vmul.f32 v1, v2;
	v2 =	vmul.f32 v5, v2  }
0x4f: {  	[tilespmem:s21+$0x10] =	vst v8  }
0x50: {  	v5 =	vmov s24;
	[tilespmem:s21+$0xFFFFFFE0] =	vst v6  }
0x51: {  	v1 =	vld [tilespmem:s23+$0xFFFFFFF0];
	[tilespmem:s21+$0xFFFFFFF0] =	vst v7  }
0x52: {  	v6 =	vld [tilespmem:s23+$0x30];
	[tilespmem:s21+$0x0] =	vst v2  }
0x53: {  	v8 =	vld [tilespmem:s23+$0x10];
	[tilespmem:s21+$0x20] =	vst v3  }
0x54: {  	v7 =	vld [tilespmem:s23+$0xFFFFFFC0];
	[tilespmem:s21+$0xFFFFFFD0] =	vst v4;
	s21 =	smov.u32 s23  }
0x55: {  	v2 =	vld.idx.msk [tilespmem:v5+s16+$0x0], $0xffff  }
0x56: {  	v10 =	vld [tilespmem:s23+$0xFFFFFFE0]  }
0x57: {  	v3 =	vld [tilespmem:s23+$0x20]  }
.Ltmp3:
0x58: {  	v4 =	vld [tilespmem:s23+$0xFFFFFFD0];
	(pc) =	sbr.rel @p1 .LBB2_7-.Ltmp3, $3  }
0x59: {  	v5 =	vld [tilespmem:s23+$0x0];
	_ =	sdelay $0x1  }
0x5a: {  	v7 =	vmul.f32 v7, v2;
	v9 =	vmul.f32 v6, v2  }
0x5b: {  	v8 =	vmul.f32 v8, v2;
	v6 =	vmul.f32 v10, v2  }
0x5c: {  	[tilespmem:s21+$0x30] =	vst v9  }
0x5d: {  	[tilespmem:s21+$0xFFFFFFC0] =	vst v7  }
0x5e: {  	v1 =	vmul.f32 v1, v2;
	[tilespmem:s21+$0x10] =	vst v8  }
0x5f: {  	v3 =	vmul.f32 v3, v2;
	[tilespmem:s21+$0xFFFFFFE0] =	vst v6  }
0x60: {  	v5 =	vmul.f32 v5, v2;
	[tilespmem:s21+$0xFFFFFFF0] =	vst v1  }
0x61: {  	s20 =	sadd.s32 $0x1, s20;
	v1 =	vmul.f32 v4, v2;
	[tilespmem:s21+$0x20] =	vst v3  }
0x62: {  	p1 =	sne.s32 s20, $0x7D;
	[tilespmem:s21+$0x0] =	vst v5  }
.Ltmp4:
0x63: {  	[tilespmem:s21+$0xFFFFFFD0] =	vst v1;
	(pc) =	sbr.rel @p1 .LBB2_6-.Ltmp4, $4  }
0x64: {  	[spmem:s5] =	stream.indirect.scatter.add.f32 [tilespmem:s13], [sflag:$0x1], $0x80, s6, s17, $0xb8;
	[tilespmem:$0x16200] =	vst v63  }
0x65: {  	_ =	swait.ge [sflag:s14], $0x2800  }
0x66: {  	[sflag:s14] =	ssyncset.done $0x0  }
0x67: {  	[sflag:s14] =	ssyncadd.s32 $0xFFFFD800  }
0x68: {  	[bflag:$0x0] =	sbarrier.arrive $0xFFFF  }
0x69: {  	[tilespmem:s13], [sflag:$0x1] =	stream.linear.gather [spmem:s11], $0x2800, $0x38;
	[tilespmem:$0x16200] =	vst v63  }
0x6a: {  	_ =	swait.ge [sflag:s14], $0x2800  }
.Ltmp5:
0x6b: {  	[sflag:s14] =	ssyncset.done $0x0;
	(pc) =	sbr.rel @!p0 .LBB2_11-.Ltmp5, $4  }
0x6c: {  	[sflag:s14] =	ssyncadd.s32 $0xFFFFD800  }
0x6d: {  	[hbm4b:s12+s6] =	stream.linear.scatter [tilespmem:s13], [sflag:$0x1], $0x2800, $0x38;
	[tilespmem:$0x16200] =	vst v63  }
0x6e: {  	s19 =	sadd.s32 $0xFFFFFFFF, s8;
	_ =	swait.ge [sflag:s14], $0x2800  }
0x6f: {  	s20 =	smov.u32 s12;
	s21 =	smov.u32 s11;
	[sflag:s14] =	ssyncset.done $0x0  }
.LBB2_10:
0x70: {  	[sflag:s14] =	ssyncadd.s32 $0xFFFFD800;
	s20 =	sadd.s32 $0x500, s20;
	s21 =	sadd.s32 $0x2800, s21  }
0x71: {  	[tilespmem:s13], [sflag:$0x1] =	stream.linear.gather [spmem:s21], $0x2800, $0x38;
	[tilespmem:$0x16200] =	vst v63  }
0x72: {  	p0 =	sne.s32 s19, $0x1;
	s19 =	sadd.s32 $0xFFFFFFFF, s19;
	_ =	swait.ge [sflag:s14], $0x2800  }
.Ltmp6:
0x73: {  	[sflag:s14] =	ssyncset.done $0x0;
	(pc) =	sbr.rel @p0 .LBB2_10-.Ltmp6, $4  }
0x74: {  	[sflag:s14] =	ssyncadd.s32 $0xFFFFD800  }
0x75: {  	[hbm4b:s20+s6] =	stream.linear.scatter [tilespmem:s13], [sflag:$0x1], $0x2800, $0x38;
	[tilespmem:$0x16200] =	vst v63  }
0x76: {  	_ =	swait.ge [sflag:s14], $0x2800  }
0x77: {  	[sflag:s14] =	ssyncset.done $0x0  }
.LBB2_11:
0x78: {  	s18 =	sadd.s32 $0x1, s18  }
0x79: {  	p0 =	sne.s32 s18, s10  }
.Ltmp7:
0x7a: {  	_ = 	snop;
	(pc) =	sbr.rel @p0 .LBB2_1-.Ltmp7, $2  }
0x7b: {  	_ =	sdelay $0x2  }
0x7c: {  	[sflag:s14] =	ssyncadd.s32 $0xFFFFD800  }
0x7d: {  	_ =	sfence.sel $0x180000  }
0x7e: {  	[bflag:$0x0] =	sbarrier.arrive $0xFFFF  }
0x7f: {  	p0 =	sne.s32 s3, $0x0;
	_ =	strace $0x9000004D  }
0x80: {  	s0 =	sadd.s32 @!p0 $0x100000, s2;
	[bflag:$0x2] =	sbarrier.arrive $0xFFFF  }
0x81: {  	[sflag:s0] =	ssyncadd.tile.s32 @!p0 $0x1;
	_ =	shalt  }
.Lfunc_end2:
_tile_overlayer_lowered:
.L_overlay_start_2:
0x82: {  	(tag) =	ssettag $0x2  }
0x83: {  	s0 =	rddreg [dreg:$0x0];
	s2 =	stileid.u32  }
0x84: {  	s1 =	rddreg [dreg:$0x1];
	p0 =	sne.s32 s2, $0x0  }
0x85: {  	s3 =	rddreg [dreg:$0x2];
	[bflag:$0x3] =	sbarrier.arrive $0xFFFF;
	s2 =	simm.s32 @!p0 $0x1C01  }
0x86: {  	[timem:s3], [sflag:s2] =	dma.local @!p0 [hbm:s0], s1  }
0x87: {  	s0 =	simm.s32 @!p0 $0x1  }
0x88: {  	_ =	swait.ge @!p0 [sflag:s0], s1  }
0x89: {  	s1 =	ssub.s32 @!p0 $0x0, s1;
	[sflag:s0] =	ssyncset.done @!p0 $0x0  }
0x8a: {  	[sflag:s0] =	ssyncadd.s32 @!p0 s1  }
0x8b: {  	[bflag:$0x3] =	sbarrier.arrive $0xFFFF  }
0x8c: {  	_ =	shalt  }

</sc_bundles>
